<compile_context>
chip_gen: v7x
topology: tpu7x:2x2x1
jax: 0.10.2.dev20260603
libtpu: 0.0.44.dev20260713+nightly
codegen_flags: <defaults>
</compile_context>

<pallas_src>
import functools

import jax
import jax.numpy as jnp
from jax import lax
from jax.experimental import pallas as pl
from jax.experimental.pallas import tpu as pltpu
from jax.experimental.pallas import tpu_sc as plsc

NC = 2
NS = 16
NW = NC * NS


def _sc_partial_sums(text, offsets2d, table, *, total, batch, embed):
    n_per_tile = total // NW
    n_chunks = n_per_tile // 128
    off_rows = batch // 16

    mesh = plsc.VectorSubcoreMesh(core_axis_name="c", subcore_axis_name="s")

    @functools.partial(
        pl.kernel,
        out_type=jax.ShapeDtypeStruct((NC, batch, embed), jnp.float32),
        mesh=mesh,
        compiler_params=pltpu.CompilerParams(
            needs_layout_passes=False, use_tc_tiling_on_sc=False),
        scratch_types=[
            pltpu.VMEM((n_per_tile,), jnp.int32),
            pltpu.VMEM((off_rows, 16), jnp.int32),
            pltpu.VMEM((n_per_tile,), jnp.int32),
            pltpu.VMEM((n_chunks, 128), jnp.int32),
            pltpu.VMEM((128, embed), jnp.float32),
            pltpu.VMEM((16, embed), jnp.float32),
            pltpu.VMEM((16,), jnp.int32),
            pltpu.VMEM_SHARED((batch + NS * 16, embed), jnp.float32),
            pltpu.SemaphoreType.DMA,
        ],
    )
    def k(text_hbm, off_hbm, table_hbm, psums_hbm,
          text_v, off_v, marks_v, seg_v, rows_v, red_v, fidx_v, acc_sh, sem):
        cid = lax.axis_index("c")
        sid = lax.axis_index("s")
        wid = cid * NS + sid
        t0 = wid * n_per_tile
        t1 = t0 + n_per_tile

        pltpu.sync_copy(off_hbm, off_v)
        pltpu.sync_copy(text_hbm.at[pl.ds(t0, n_per_tile)], text_v)

        zrow = jnp.zeros((16,), jnp.float32)

        def _zero_rows(t, _):
            for c in range(embed // 16):
                rows_v[t, pl.ds(c * 16, 16)] = zrow
            return 0

        lax.fori_loop(0, 128, _zero_rows, 0)
        rows_per_tile = batch // NS
        for h in range(rows_per_tile // 128):
            pltpu.sync_copy(rows_v, acc_sh.at[pl.ds(sid * rows_per_tile + h * 128, 128)])

        zrow_i = jnp.zeros((16,), jnp.int32)

        def _zero_marks(i, _):
            marks_v[pl.ds(i * 16, 16)] = zrow_i
            return 0

        lax.fori_loop(0, n_per_tile // 16, _zero_marks, 0)

        ones_i = jnp.ones((16,), jnp.int32)

        def _scan_offs(r, base_vec):
            o = off_v[r]
            in_rng = jnp.logical_and(o >= t0, o < t1)
            p = o - t0
            plsc.addupdate_scatter(marks_v, [p], ones_i, mask=in_rng)
            return base_vec + jnp.where(o < t0, 1, 0)

        base_vec = lax.fori_loop(0, off_rows, _scan_offs, zrow_i)
        base = jnp.sum(base_vec)

        def _cumsum_row(r, carry):
            for c in range(8):
                x = marks_v[pl.ds(r * 128 + c * 16, 16)]
                s = plsc.cumsum(x) + carry
                seg_v[r, pl.ds(c * 16, 16)] = s
                carry = carry + jnp.sum(x)
            return carry

        lax.fori_loop(0, n_chunks, _cumsum_row, base - 1)

        plsc.subcore_barrier()

        lane = lax.iota(jnp.int32, 16)
        trash_vec = batch + sid * 16 + lane
        fidx_v[...] = trash_vec

        def _chunk(r, _):
            tb = pl.multiple_of(r * 128, 128)
            pltpu.async_copy(
                table_hbm.at[text_v.at[pl.ds(tb, 128)]], rows_v, sem).wait()
            s_first = seg_v[r, pl.ds(0, 16)][0]
            s_last = seg_v[r, pl.ds(112, 16)][15]
            uniform = s_first == s_last
            j = lax.bitwise_and(r, 15)

            @pl.when(uniform)
            def _():
                def _red(t, acc):
                    return tuple(
                        acc[c] + rows_v[t, pl.ds(c * 16, 16)]
                        for c in range(embed // 16))

                acc = lax.fori_loop(
                    0, 128, _red,
                    tuple(jnp.zeros((16,), jnp.float32)
                          for _ in range(embed // 16)))
                for c in range(embed // 16):
                    red_v[j, pl.ds(c * 16, 16)] = acc[c]
                fidx_v[...] = jnp.where(lane == j, s_first, fidx_v[...])

            @pl.when(jnp.logical_not(uniform))
            def _():
                pltpu.sync_copy(rows_v, acc_sh.at[seg_v.at[r]], add=True)

            @pl.when(j == 15)
            def _():
                pltpu.sync_copy(red_v, acc_sh.at[fidx_v], add=True)
                fidx_v[...] = trash_vec

            return 0

        lax.fori_loop(0, n_chunks, _chunk, 0)
        if n_chunks % 16 != 0:
            pltpu.sync_copy(red_v, acc_sh.at[fidx_v], add=True)

        plsc.subcore_barrier()

        for h in range(rows_per_tile // 128):
            row0 = pl.multiple_of(sid * rows_per_tile + h * 128, 128)
            pltpu.sync_copy(acc_sh.at[pl.ds(row0, 128)], rows_v)
            pltpu.sync_copy(rows_v, psums_hbm.at[cid, pl.ds(row0, 128)])

    return k(text, offsets2d, table)


def _tc_head(psums, off_col, ends_col, W, b_row):
    batch, embed = psums.shape[1], psums.shape[2]
    nclass = W.shape[0]

    def body(p_ref, off_ref, ends_ref, w_ref, b_ref, o_ref):
        s = p_ref[0] + p_ref[1]
        cnt = (ends_ref[...] - off_ref[...]).astype(jnp.float32)
        inv = 1.0 / jnp.maximum(cnt, 1.0)
        emb = s * inv
        o_ref[...] = lax.dot_general(
            emb, w_ref[...],
            dimension_numbers=(((1,), (1,)), ((), ())),
            preferred_element_type=jnp.float32) + b_ref[...]

    return pl.pallas_call(
        body,
        out_shape=jax.ShapeDtypeStruct((batch, nclass), jnp.float32),
    )(psums, off_col, ends_col, W, b_row)


def kernel(text, offsets, table, W, b):
    total = text.shape[0]
    batch = offsets.shape[0]
    embed = table.shape[1]

    offsets2d = offsets.reshape(batch // 16, 16)
    psums = _sc_partial_sums(text, offsets2d, table,
                             total=total, batch=batch, embed=embed)

    ends = jnp.concatenate(
        [offsets[1:], jnp.array([total], dtype=offsets.dtype)])
    return _tc_head(psums, offsets.reshape(batch, 1),
                    ends.reshape(batch, 1), W, b.reshape(1, -1))

# --- scband reference (transcript-rebuilt; emitter-appended) ---
"""Pipeline reference for scband-text-linear-model-25615184953538 (READ-ONLY COPY).

The authoritative reference and input builder live on the scoring server;
editing this copy changes nothing except your own understanding.
"""

import jax, jax.numpy as jnp
import numpy as np

VOCAB = 1000000
EMBED_DIM = 64
NUM_CLASS = 16
BATCH = 4096
TOTAL_TOKENS = 204800


def setup_inputs(seed: int = 0) -> dict:
    key = jax.random.key(seed)
    k1, k2, k3 = jax.random.split(key, 3)
    text = jax.random.randint(k1, (TOTAL_TOKENS,), 0, VOCAB, dtype=jnp.int32)
    # offsets: arange -> offsets[0] == 0 and monotonically increasing, as required by EmbeddingBag
    offsets = jnp.arange(BATCH, dtype=jnp.int32)
    table = jax.random.normal(k2, (VOCAB, EMBED_DIM), dtype=jnp.float32) * 0.05
    W = jax.random.normal(k3, (NUM_CLASS, EMBED_DIM), dtype=jnp.float32) * 0.05
    b = jnp.zeros((NUM_CLASS,), dtype=jnp.float32)
    return {"text": text, "offsets": offsets, "table": table, "W": W, "b": b}


def reference(text, offsets, table, W, b):
    # nn.EmbeddingBag(mode='mean'): gather rows, segment-mean by bag defined via offsets
    total = text.shape[0]
    B = offsets.shape[0]
    gathered = jnp.take(table, text, axis=0)  # [total, embed_dim]
    # segment id for each token: index of the bag it belongs to
    seg = jnp.searchsorted(offsets, jnp.arange(total, dtype=offsets.dtype), side='right') - 1
    sums = jax.ops.segment_sum(gathered, seg, num_segments=B)  # [B, embed_dim]
    ends = jnp.concatenate([offsets, jnp.array([total], dtype=offsets.dtype)])
    counts = jnp.diff(ends).astype(jnp.float32)
    counts = jnp.maximum(counts, 1.0)[:, None]
    embedded = sums / counts  # mean mode; empty bags -> 0 (sum is 0)
    # single Linear (num_linear=1): embed_dim -> num_class
    return embedded @ W.T + b

if __name__ == "__main__":
    import jax
    _d = setup_inputs()
    print(jax.jit(kernel)(*tuple(_d.values())))

</pallas_src>

<mosaic_0001>
#map = affine_map<(d0, d1) -> (0)>
#map1 = affine_map<(d0, d1) -> (0, 0)>
#map2 = affine_map<(d0, d1) -> (0, 0, 0)>
module attributes {stable_mosaic.version = 14 : i64} {
  func.func @k(%arg0: i32, %arg1: i32, %arg2: memref<204800xi32, #tpu.memory_space<hbm>>, %arg3: memref<256x16xi32, #tpu.memory_space<hbm>>, %arg4: memref<1000000x64xf32, #tpu.memory_space<hbm>>, %arg5: memref<2x4096x64xf32, #tpu.memory_space<hbm>>, %arg6: memref<6400xi32, #tpu.memory_space<vmem>>, %arg7: memref<256x16xi32, #tpu.memory_space<vmem>>, %arg8: memref<6400xi32, #tpu.memory_space<vmem>>, %arg9: memref<50x128xi32, #tpu.memory_space<vmem>>, %arg10: memref<128x64xf32, #tpu.memory_space<vmem>>, %arg11: memref<16x64xf32, #tpu.memory_space<vmem>>, %arg12: memref<16xi32, #tpu.memory_space<vmem>>, %arg13: memref<4352x64xf32, #tpu.memory_space<vmem_shared>>, %arg14: memref<!tpu.dma_semaphore, #tpu.memory_space<semaphore_mem>>) attributes {dimension_semantics = [#tpu.dimension_semantics<core_parallel>, #tpu.dimension_semantics<subcore_parallel>], iteration_bounds = array<i64: 2, 16>, scalar_prefetch = 0 : i64, scratch_operands = 9 : i64, tpu.core_type = #tpu.core_type<sc_vector_subcore>, window_params = [{transform_indices = #map}, {transform_indices = #map1}, {transform_indices = #map1}, {transform_indices = #map2}]} {
    %mul3A = arith.constant 16 : i32
    %mul3A_0 = arith.muli %arg0, %mul3A : i32
    %add3A = arith.addi %mul3A_0, %arg1 : i32
    %mul3A_1 = arith.constant 6400 : i32
    %mul3A_2 = arith.muli %add3A, %mul3A_1 : i32
    %add3A_3 = arith.constant 6400 : i32
    %add3A_4 = arith.addi %mul3A_2, %add3A_3 : i32
    "tpu.region"() ({
      %run_scoped3A = tpu.sem_alloc : memref<!tpu.dma_semaphore, #tpu.memory_space<semaphore_mem>>
      tpu.enqueue_dma source(%arg3 : memref<256x16xi32, #tpu.memory_space<hbm>>) target(%arg7 : memref<256x16xi32, #tpu.memory_space<vmem>>) target_semaphore(%run_scoped3A : memref<!tpu.dma_semaphore, #tpu.memory_space<semaphore_mem>>)
      tpu.wait_dma2 semaphore(%run_scoped3A : memref<!tpu.dma_semaphore, #tpu.memory_space<semaphore_mem>>) src(%arg3 : memref<256x16xi32, #tpu.memory_space<hbm>>) dst(%arg7 : memref<256x16xi32, #tpu.memory_space<vmem>>)
      tpu.yield
    }) : () -> ()
    "tpu.region"() ({
      %run_scoped3A = tpu.sem_alloc : memref<!tpu.dma_semaphore, #tpu.memory_space<semaphore_mem>>
      %dma_start3A = tpu.memref_slice %arg2[%mul3A_2] : memref<204800xi32, #tpu.memory_space<hbm>> -> memref<6400xi32, #tpu.memory_space<hbm>>
      %dma_start3A_71 = tpu.memref_slice %arg2[%mul3A_2] : memref<204800xi32, #tpu.memory_space<hbm>> -> memref<6400xi32, #tpu.memory_space<hbm>>
      tpu.enqueue_dma source(%dma_start3A_71 : memref<6400xi32, #tpu.memory_space<hbm>>) target(%arg6 : memref<6400xi32, #tpu.memory_space<vmem>>) target_semaphore(%run_scoped3A : memref<!tpu.dma_semaphore, #tpu.memory_space<semaphore_mem>>)
      %dma_wait3A = tpu.memref_slice %arg2[%mul3A_2] : memref<204800xi32, #tpu.memory_space<hbm>> -> memref<6400xi32, #tpu.memory_space<hbm>>
      %dma_wait3A_72 = tpu.memref_slice %arg2[%mul3A_2] : memref<204800xi32, #tpu.memory_space<hbm>> -> memref<6400xi32, #tpu.memory_space<hbm>>
      tpu.wait_dma2 semaphore(%run_scoped3A : memref<!tpu.dma_semaphore, #tpu.memory_space<semaphore_mem>>) src(%dma_wait3A_72 : memref<6400xi32, #tpu.memory_space<hbm>>) dst(%arg6 : memref<6400xi32, #tpu.memory_space<vmem>>)
      tpu.yield
    }) : () -> ()
    %broadcast_in_dim3A = arith.constant 0.000000e+00 : f32
    %broadcast_in_dim3A_5 = vector.broadcast %broadcast_in_dim3A : f32 to vector<16xf32>
    %scan3A = arith.constant 0 : i32
    %scan3A_6 = arith.constant 0 : i32
    %scan3A_7 = arith.constant 128 : i32
    %scan3A_8 = arith.addi %scan3A_6, %scan3A_7 : i32
    %scan3A_9 = arith.constant 1 : i32
    %scan3A_10 = scf.for %scan3A_71 = %scan3A_6 to %scan3A_8 step %scan3A_9 iter_args(%scan3A_72 = %scan3A) -> (i32)  : i32 {
      %swap3A_73 = arith.index_cast %scan3A_71 : i32 to index
      %swap3A_74 = arith.constant 0 : index
      %swap3A_75 = tpu.vector_load %arg10[%swap3A_73, %swap3A_74] {strides = array<i32>} : memref<128x64xf32, #tpu.memory_space<vmem>>, vector<16xf32>,
      tpu.vector_store %arg10[%swap3A_73, %swap3A_74], %broadcast_in_dim3A_5 {strides = array<i32>} : memref<128x64xf32, #tpu.memory_space<vmem>>, vector<16xf32>,
      %swap3A_76 = arith.index_cast %scan3A_71 : i32 to index
      %swap3A_77 = arith.constant 16 : index
      %swap3A_78 = tpu.vector_load %arg10[%swap3A_76, %swap3A_77] {strides = array<i32>} : memref<128x64xf32, #tpu.memory_space<vmem>>, vector<16xf32>,
      tpu.vector_store %arg10[%swap3A_76, %swap3A_77], %broadcast_in_dim3A_5 {strides = array<i32>} : memref<128x64xf32, #tpu.memory_space<vmem>>, vector<16xf32>,
      %swap3A_79 = arith.index_cast %scan3A_71 : i32 to index
      %swap3A_80 = arith.constant 32 : index
      %swap3A_81 = tpu.vector_load %arg10[%swap3A_79, %swap3A_80] {strides = array<i32>} : memref<128x64xf32, #tpu.memory_space<vmem>>, vector<16xf32>,
      tpu.vector_store %arg10[%swap3A_79, %swap3A_80], %broadcast_in_dim3A_5 {strides = array<i32>} : memref<128x64xf32, #tpu.memory_space<vmem>>, vector<16xf32>,
      %swap3A_82 = arith.index_cast %scan3A_71 : i32 to index
      %swap3A_83 = arith.constant 48 : index
      %swap3A_84 = tpu.vector_load %arg10[%swap3A_82, %swap3A_83] {strides = array<i32>} : memref<128x64xf32, #tpu.memory_space<vmem>>, vector<16xf32>,
      tpu.vector_store %arg10[%swap3A_82, %swap3A_83], %broadcast_in_dim3A_5 {strides = array<i32>} : memref<128x64xf32, #tpu.memory_space<vmem>>, vector<16xf32>,
      %scan3A_85 = arith.constant 0 : i32
      scf.yield %scan3A_85 : i32
    }
    %scan3A_11 = arith.constant 128 : i32
    %mul3A_12 = arith.constant 256 : i32
    %mul3A_13 = arith.muli %arg1, %mul3A_12 : i32
    %add3A_14 = arith.constant 0 : i32
    %add3A_15 = arith.addi %mul3A_13, %add3A_14 : i32
    "tpu.region"() ({
      %run_scoped3A = tpu.sem_alloc : memref<!tpu.dma_semaphore, #tpu.memory_space<semaphore_mem>>
      %dma_start3A = arith.constant 0 : i32
      %dma_start3A_71 = tpu.memref_slice %arg13[%add3A_15, %dma_start3A] : memref<4352x64xf32, #tpu.memory_space<vmem_shared>> -> memref<128x64xf32, #tpu.memory_space<vmem_shared>>
      %dma_start3A_72 = arith.constant 0 : i32
      %dma_start3A_73 = tpu.memref_slice %arg13[%add3A_15, %dma_start3A_72] : memref<4352x64xf32, #tpu.memory_space<vmem_shared>> -> memref<128x64xf32, #tpu.memory_space<vmem_shared>>
      tpu.enqueue_dma source(%arg10 : memref<128x64xf32, #tpu.memory_space<vmem>>) target(%dma_start3A_73 : memref<128x64xf32, #tpu.memory_space<vmem_shared>>) target_semaphore(%run_scoped3A : memref<!tpu.dma_semaphore, #tpu.memory_space<semaphore_mem>>)
      %dma_wait3A = arith.constant 0 : i32
      %dma_wait3A_74 = tpu.memref_slice %arg13[%add3A_15, %dma_wait3A] : memref<4352x64xf32, #tpu.memory_space<vmem_shared>> -> memref<128x64xf32, #tpu.memory_space<vmem_shared>>
      %dma_wait3A_75 = arith.constant 0 : i32
      %dma_wait3A_76 = tpu.memref_slice %arg13[%add3A_15, %dma_wait3A_75] : memref<4352x64xf32, #tpu.memory_space<vmem_shared>> -> memref<128x64xf32, #tpu.memory_space<vmem_shared>>
      tpu.wait_dma2 semaphore(%run_scoped3A : memref<!tpu.dma_semaphore, #tpu.memory_space<semaphore_mem>>) src(%arg10 : memref<128x64xf32, #tpu.memory_space<vmem>>) dst(%dma_wait3A_76 : memref<128x64xf32, #tpu.memory_space<vmem_shared>>)
      tpu.yield
    }) : () -> ()
    %mul3A_16 = arith.constant 256 : i32
    %mul3A_17 = arith.muli %arg1, %mul3A_16 : i32
    %add3A_18 = arith.constant 128 : i32
    %add3A_19 = arith.addi %mul3A_17, %add3A_18 : i32
    "tpu.region"() ({
      %run_scoped3A = tpu.sem_alloc : memref<!tpu.dma_semaphore, #tpu.memory_space<semaphore_mem>>
      %dma_start3A = arith.constant 0 : i32
      %dma_start3A_71 = tpu.memref_slice %arg13[%add3A_19, %dma_start3A] : memref<4352x64xf32, #tpu.memory_space<vmem_shared>> -> memref<128x64xf32, #tpu.memory_space<vmem_shared>>
      %dma_start3A_72 = arith.constant 0 : i32
      %dma_start3A_73 = tpu.memref_slice %arg13[%add3A_19, %dma_start3A_72] : memref<4352x64xf32, #tpu.memory_space<vmem_shared>> -> memref<128x64xf32, #tpu.memory_space<vmem_shared>>
      tpu.enqueue_dma source(%arg10 : memref<128x64xf32, #tpu.memory_space<vmem>>) target(%dma_start3A_73 : memref<128x64xf32, #tpu.memory_space<vmem_shared>>) target_semaphore(%run_scoped3A : memref<!tpu.dma_semaphore, #tpu.memory_space<semaphore_mem>>)
      %dma_wait3A = arith.constant 0 : i32
      %dma_wait3A_74 = tpu.memref_slice %arg13[%add3A_19, %dma_wait3A] : memref<4352x64xf32, #tpu.memory_space<vmem_shared>> -> memref<128x64xf32, #tpu.memory_space<vmem_shared>>
      %dma_wait3A_75 = arith.constant 0 : i32
      %dma_wait3A_76 = tpu.memref_slice %arg13[%add3A_19, %dma_wait3A_75] : memref<4352x64xf32, #tpu.memory_space<vmem_shared>> -> memref<128x64xf32, #tpu.memory_space<vmem_shared>>
      tpu.wait_dma2 semaphore(%run_scoped3A : memref<!tpu.dma_semaphore, #tpu.memory_space<semaphore_mem>>) src(%arg10 : memref<128x64xf32, #tpu.memory_space<vmem>>) dst(%dma_wait3A_76 : memref<128x64xf32, #tpu.memory_space<vmem_shared>>)
      tpu.yield
    }) : () -> ()
    %broadcast_in_dim3A_20 = arith.constant 0 : i32
    %broadcast_in_dim3A_21 = vector.broadcast %broadcast_in_dim3A_20 : i32 to vector<16xi32>
    %scan3A_22 = arith.constant 0 : i32
    %scan3A_23 = arith.constant 0 : i32
    %scan3A_24 = arith.constant 400 : i32
    %scan3A_25 = arith.addi %scan3A_23, %scan3A_24 : i32
    %scan3A_26 = arith.constant 1 : i32
    %scan3A_27 = scf.for %scan3A_71 = %scan3A_23 to %scan3A_25 step %scan3A_26 iter_args(%scan3A_72 = %scan3A_22) -> (i32)  : i32 {
      %mul3A_73 = arith.constant 16 : i32
      %mul3A_74 = arith.muli %scan3A_71, %mul3A_73 : i32
      %swap3A_75 = arith.index_cast %mul3A_74 : i32 to index
      %swap3A_76 = tpu.vector_load %arg8[%swap3A_75] {strides = array<i32>} : memref<6400xi32, #tpu.memory_space<vmem>>, vector<16xi32>,
      tpu.vector_store %arg8[%swap3A_75], %broadcast_in_dim3A_21 {strides = array<i32>} : memref<6400xi32, #tpu.memory_space<vmem>>, vector<16xi32>,
      %scan3A_77 = arith.constant 0 : i32
      scf.yield %scan3A_77 : i32
    }
    %scan3A_28 = arith.constant 400 : i32
    %broadcast_in_dim3A_29 = arith.constant 1 : i32
    %broadcast_in_dim3A_30 = vector.broadcast %broadcast_in_dim3A_29 : i32 to vector<16xi32>
    %scan3A_31 = arith.constant 0 : i32
    %scan3A_32 = arith.constant 256 : i32
    %scan3A_33 = arith.addi %scan3A_31, %scan3A_32 : i32
    %scan3A_34 = arith.constant 1 : i32
    %scan3A_35 = scf.for %scan3A_71 = %scan3A_31 to %scan3A_33 step %scan3A_34 iter_args(%scan3A_72 = %broadcast_in_dim3A_21) -> (vector<16xi32>)  : i32 {
      %get3A = arith.index_cast %scan3A_71 : i32 to index
      %get3A_73 = arith.constant 0 : index
      %get3A_74 = tpu.vector_load %arg7[%get3A, %get3A_73] {strides = array<i32>} : memref<256x16xi32, #tpu.memory_space<vmem>>, vector<16xi32>,
      %ge3A = vector.broadcast %mul3A_2 : i32 to vector<16xi32>
      %ge3A_75 = arith.cmpi sge, %get3A_74, %ge3A : vector<16xi32>
      %lt3A = vector.broadcast %add3A_4 : i32 to vector<16xi32>
      %lt3A_76 = arith.cmpi slt, %get3A_74, %lt3A : vector<16xi32>
      %and3A = arith.andi %ge3A_75, %lt3A_76 : vector<16xi1>
      %sub3A_77 = vector.broadcast %mul3A_2 : i32 to vector<16xi32>
      %sub3A_78 = arith.subi %get3A_74, %sub3A_77 : vector<16xi32>
      tpu.vector_store_idx %arg8[%sub3A_78], %broadcast_in_dim3A_30 masked %and3A {add = true} : memref<6400xi32, #tpu.memory_space<vmem>>[vector<16xi32>], vector<16xi32>, vector<16xi1>
      %lt3A_79 = vector.broadcast %mul3A_2 : i32 to vector<16xi32>
      %lt3A_80 = arith.cmpi slt, %get3A_74, %lt3A_79 : vector<16xi32>
      %jit3A = arith.constant 1 : i32
      %jit3A_81 = arith.constant 0 : i32
      %broadcast_in_dim3A_82 = vector.broadcast %jit3A : i32 to vector<16xi32>
      %broadcast_in_dim3A_83 = vector.broadcast %jit3A_81 : i32 to vector<16xi32>
      %select_n3A = arith.select %lt3A_80, %broadcast_in_dim3A_82, %broadcast_in_dim3A_83 : vector<16xi1>, vector<16xi32>
      %add3A_84 = arith.addi %scan3A_72, %select_n3A : vector<16xi32>
      scf.yield %add3A_84 : vector<16xi32>
    }
    %scan3A_36 = arith.constant 256 : i32
    %reduce_sum3A = arith.constant true
    %reduce_sum3A_37 = vector.broadcast %reduce_sum3A : i1 to vector<16xi1>
    %reduce_sum3A_38 = tpu.scan <sum>, %scan3A_35 masked %reduce_sum3A_37 : vector<16xi32>, vector<16xi1> -> vector<16xi32>
    %reduce_sum3A_39 = vector.extract %reduce_sum3A_38[15] : i32 from vector<16xi32>
    %sub3A = arith.constant 1 : i32
    %sub3A_40 = arith.subi %reduce_sum3A_39, %sub3A : i32
    %scan3A_41 = arith.constant 0 : i32
    %scan3A_42 = arith.constant 50 : i32
    %scan3A_43 = arith.addi %scan3A_41, %scan3A_42 : i32
    %scan3A_44 = arith.constant 1 : i32
    %scan3A_45 = scf.for %scan3A_71 = %scan3A_41 to %scan3A_43 step %scan3A_44 iter_args(%scan3A_72 = %sub3A_40) -> (i32)  : i32 {
      %mul3A_73 = arith.constant 128 : i32
      %mul3A_74 = arith.muli %scan3A_71, %mul3A_73 : i32
      %add3A_75 = arith.constant 0 : i32
      %add3A_76 = arith.addi %mul3A_74, %add3A_75 : i32
      %get3A = arith.index_cast %add3A_76 : i32 to index
      %get3A_77 = tpu.vector_load %arg8[%get3A] {strides = array<i32>} : memref<6400xi32, #tpu.memory_space<vmem>>, vector<16xi32>,
      %broadcast_in_dim3A_78 = arith.constant true
      %broadcast_in_dim3A_79 = vector.broadcast %broadcast_in_dim3A_78 : i1 to vector<16xi1>
      %masked_cumsum3A = tpu.scan <sum>, %get3A_77 masked %broadcast_in_dim3A_79 : vector<16xi32>, vector<16xi1> -> vector<16xi32>
      %add3A_80 = vector.broadcast %scan3A_72 : i32 to vector<16xi32>
      %add3A_81 = arith.addi %masked_cumsum3A, %add3A_80 : vector<16xi32>
      %swap3A_82 = arith.index_cast %scan3A_71 : i32 to index
      %swap3A_83 = arith.constant 0 : index
      %swap3A_84 = tpu.vector_load %arg9[%swap3A_82, %swap3A_83] {strides = array<i32>} : memref<50x128xi32, #tpu.memory_space<vmem>>, vector<16xi32>,
      tpu.vector_store %arg9[%swap3A_82, %swap3A_83], %add3A_81 {strides = array<i32>} : memref<50x128xi32, #tpu.memory_space<vmem>>, vector<16xi32>,
      %reduce_sum3A_85 = arith.constant true
      %reduce_sum3A_86 = vector.broadcast %reduce_sum3A_85 : i1 to vector<16xi1>
      %reduce_sum3A_87 = tpu.scan <sum>, %get3A_77 masked %reduce_sum3A_86 : vector<16xi32>, vector<16xi1> -> vector<16xi32>
      %reduce_sum3A_88 = vector.extract %reduce_sum3A_87[15] : i32 from vector<16xi32>
      %add3A_89 = arith.addi %scan3A_72, %reduce_sum3A_88 : i32
      %mul3A_90 = arith.constant 128 : i32
      %mul3A_91 = arith.muli %scan3A_71, %mul3A_90 : i32
      %add3A_92 = arith.constant 16 : i32
      %add3A_93 = arith.addi %mul3A_91, %add3A_92 : i32
      %get3A_94 = arith.index_cast %add3A_93 : i32 to index
      %get3A_95 = tpu.vector_load %arg8[%get3A_94] {strides = array<i32>} : memref<6400xi32, #tpu.memory_space<vmem>>, vector<16xi32>,
      %broadcast_in_dim3A_96 = arith.constant true
      %broadcast_in_dim3A_97 = vector.broadcast %broadcast_in_dim3A_96 : i1 to vector<16xi1>
      %masked_cumsum3A_98 = tpu.scan <sum>, %get3A_95 masked %broadcast_in_dim3A_97 : vector<16xi32>, vector<16xi1> -> vector<16xi32>
      %add3A_99 = vector.broadcast %add3A_89 : i32 to vector<16xi32>
      %add3A_100 = arith.addi %masked_cumsum3A_98, %add3A_99 : vector<16xi32>
      %swap3A_101 = arith.index_cast %scan3A_71 : i32 to index
      %swap3A_102 = arith.constant 16 : index
      %swap3A_103 = tpu.vector_load %arg9[%swap3A_101, %swap3A_102] {strides = array<i32>} : memref<50x128xi32, #tpu.memory_space<vmem>>, vector<16xi32>,
      tpu.vector_store %arg9[%swap3A_101, %swap3A_102], %add3A_100 {strides = array<i32>} : memref<50x128xi32, #tpu.memory_space<vmem>>, vector<16xi32>,
      %reduce_sum3A_104 = arith.constant true
      %reduce_sum3A_105 = vector.broadcast %reduce_sum3A_104 : i1 to vector<16xi1>
      %reduce_sum3A_106 = tpu.scan <sum>, %get3A_95 masked %reduce_sum3A_105 : vector<16xi32>, vector<16xi1> -> vector<16xi32>
      %reduce_sum3A_107 = vector.extract %reduce_sum3A_106[15] : i32 from vector<16xi32>
      %add3A_108 = arith.addi %add3A_89, %reduce_sum3A_107 : i32
      %mul3A_109 = arith.constant 128 : i32
      %mul3A_110 = arith.muli %scan3A_71, %mul3A_109 : i32
      %add3A_111 = arith.constant 32 : i32
      %add3A_112 = arith.addi %mul3A_110, %add3A_111 : i32
      %get3A_113 = arith.index_cast %add3A_112 : i32 to index
      %get3A_114 = tpu.vector_load %arg8[%get3A_113] {strides = array<i32>} : memref<6400xi32, #tpu.memory_space<vmem>>, vector<16xi32>,
      %broadcast_in_dim3A_115 = arith.constant true
      %broadcast_in_dim3A_116 = vector.broadcast %broadcast_in_dim3A_115 : i1 to vector<16xi1>
      %masked_cumsum3A_117 = tpu.scan <sum>, %get3A_114 masked %broadcast_in_dim3A_116 : vector<16xi32>, vector<16xi1> -> vector<16xi32>
      %add3A_118 = vector.broadcast %add3A_108 : i32 to vector<16xi32>
      %add3A_119 = arith.addi %masked_cumsum3A_117, %add3A_118 : vector<16xi32>
      %swap3A_120 = arith.index_cast %scan3A_71 : i32 to index
      %swap3A_121 = arith.constant 32 : index
      %swap3A_122 = tpu.vector_load %arg9[%swap3A_120, %swap3A_121] {strides = array<i32>} : memref<50x128xi32, #tpu.memory_space<vmem>>, vector<16xi32>,
      tpu.vector_store %arg9[%swap3A_120, %swap3A_121], %add3A_119 {strides = array<i32>} : memref<50x128xi32, #tpu.memory_space<vmem>>, vector<16xi32>,
      %reduce_sum3A_123 = arith.constant true
      %reduce_sum3A_124 = vector.broadcast %reduce_sum3A_123 : i1 to vector<16xi1>
      %reduce_sum3A_125 = tpu.scan <sum>, %get3A_114 masked %reduce_sum3A_124 : vector<16xi32>, vector<16xi1> -> vector<16xi32>
      %reduce_sum3A_126 = vector.extract %reduce_sum3A_125[15] : i32 from vector<16xi32>
      %add3A_127 = arith.addi %add3A_108, %reduce_sum3A_126 : i32
      %mul3A_128 = arith.constant 128 : i32
      %mul3A_129 = arith.muli %scan3A_71, %mul3A_128 : i32
      %add3A_130 = arith.constant 48 : i32
      %add3A_131 = arith.addi %mul3A_129, %add3A_130 : i32
      %get3A_132 = arith.index_cast %add3A_131 : i32 to index
      %get3A_133 = tpu.vector_load %arg8[%get3A_132] {strides = array<i32>} : memref<6400xi32, #tpu.memory_space<vmem>>, vector<16xi32>,
      %broadcast_in_dim3A_134 = arith.constant true
      %broadcast_in_dim3A_135 = vector.broadcast %broadcast_in_dim3A_134 : i1 to vector<16xi1>
      %masked_cumsum3A_136 = tpu.scan <sum>, %get3A_133 masked %broadcast_in_dim3A_135 : vector<16xi32>, vector<16xi1> -> vector<16xi32>
      %add3A_137 = vector.broadcast %add3A_127 : i32 to vector<16xi32>
      %add3A_138 = arith.addi %masked_cumsum3A_136, %add3A_137 : vector<16xi32>
      %swap3A_139 = arith.index_cast %scan3A_71 : i32 to index
      %swap3A_140 = arith.constant 48 : index
      %swap3A_141 = tpu.vector_load %arg9[%swap3A_139, %swap3A_140] {strides = array<i32>} : memref<50x128xi32, #tpu.memory_space<vmem>>, vector<16xi32>,
      tpu.vector_store %arg9[%swap3A_139, %swap3A_140], %add3A_138 {strides = array<i32>} : memref<50x128xi32, #tpu.memory_space<vmem>>, vector<16xi32>,
      %reduce_sum3A_142 = arith.constant true
      %reduce_sum3A_143 = vector.broadcast %reduce_sum3A_142 : i1 to vector<16xi1>
      %reduce_sum3A_144 = tpu.scan <sum>, %get3A_133 masked %reduce_sum3A_143 : vector<16xi32>, vector<16xi1> -> vector<16xi32>
      %reduce_sum3A_145 = vector.extract %reduce_sum3A_144[15] : i32 from vector<16xi32>
      %add3A_146 = arith.addi %add3A_127, %reduce_sum3A_145 : i32
      %mul3A_147 = arith.constant 128 : i32
      %mul3A_148 = arith.muli %scan3A_71, %mul3A_147 : i32
      %add3A_149 = arith.constant 64 : i32
      %add3A_150 = arith.addi %mul3A_148, %add3A_149 : i32
      %get3A_151 = arith.index_cast %add3A_150 : i32 to index
      %get3A_152 = tpu.vector_load %arg8[%get3A_151] {strides = array<i32>} : memref<6400xi32, #tpu.memory_space<vmem>>, vector<16xi32>,
      %broadcast_in_dim3A_153 = arith.constant true
      %broadcast_in_dim3A_154 = vector.broadcast %broadcast_in_dim3A_153 : i1 to vector<16xi1>
      %masked_cumsum3A_155 = tpu.scan <sum>, %get3A_152 masked %broadcast_in_dim3A_154 : vector<16xi32>, vector<16xi1> -> vector<16xi32>
      %add3A_156 = vector.broadcast %add3A_146 : i32 to vector<16xi32>
      %add3A_157 = arith.addi %masked_cumsum3A_155, %add3A_156 : vector<16xi32>
      %swap3A_158 = arith.index_cast %scan3A_71 : i32 to index
      %swap3A_159 = arith.constant 64 : index
      %swap3A_160 = tpu.vector_load %arg9[%swap3A_158, %swap3A_159] {strides = array<i32>} : memref<50x128xi32, #tpu.memory_space<vmem>>, vector<16xi32>,
      tpu.vector_store %arg9[%swap3A_158, %swap3A_159], %add3A_157 {strides = array<i32>} : memref<50x128xi32, #tpu.memory_space<vmem>>, vector<16xi32>,
      %reduce_sum3A_161 = arith.constant true
      %reduce_sum3A_162 = vector.broadcast %reduce_sum3A_161 : i1 to vector<16xi1>
      %reduce_sum3A_163 = tpu.scan <sum>, %get3A_152 masked %reduce_sum3A_162 : vector<16xi32>, vector<16xi1> -> vector<16xi32>
      %reduce_sum3A_164 = vector.extract %reduce_sum3A_163[15] : i32 from vector<16xi32>
      %add3A_165 = arith.addi %add3A_146, %reduce_sum3A_164 : i32
      %mul3A_166 = arith.constant 128 : i32
      %mul3A_167 = arith.muli %scan3A_71, %mul3A_166 : i32
      %add3A_168 = arith.constant 80 : i32
      %add3A_169 = arith.addi %mul3A_167, %add3A_168 : i32
      %get3A_170 = arith.index_cast %add3A_169 : i32 to index
      %get3A_171 = tpu.vector_load %arg8[%get3A_170] {strides = array<i32>} : memref<6400xi32, #tpu.memory_space<vmem>>, vector<16xi32>,
      %broadcast_in_dim3A_172 = arith.constant true
      %broadcast_in_dim3A_173 = vector.broadcast %broadcast_in_dim3A_172 : i1 to vector<16xi1>
      %masked_cumsum3A_174 = tpu.scan <sum>, %get3A_171 masked %broadcast_in_dim3A_173 : vector<16xi32>, vector<16xi1> -> vector<16xi32>
      %add3A_175 = vector.broadcast %add3A_165 : i32 to vector<16xi32>
      %add3A_176 = arith.addi %masked_cumsum3A_174, %add3A_175 : vector<16xi32>
      %swap3A_177 = arith.index_cast %scan3A_71 : i32 to index
      %swap3A_178 = arith.constant 80 : index
      %swap3A_179 = tpu.vector_load %arg9[%swap3A_177, %swap3A_178] {strides = array<i32>} : memref<50x128xi32, #tpu.memory_space<vmem>>, vector<16xi32>,
      tpu.vector_store %arg9[%swap3A_177, %swap3A_178], %add3A_176 {strides = array<i32>} : memref<50x128xi32, #tpu.memory_space<vmem>>, vector<16xi32>,
      %reduce_sum3A_180 = arith.constant true
      %reduce_sum3A_181 = vector.broadcast %reduce_sum3A_180 : i1 to vector<16xi1>
      %reduce_sum3A_182 = tpu.scan <sum>, %get3A_171 masked %reduce_sum3A_181 : vector<16xi32>, vector<16xi1> -> vector<16xi32>
      %reduce_sum3A_183 = vector.extract %reduce_sum3A_182[15] : i32 from vector<16xi32>
      %add3A_184 = arith.addi %add3A_165, %reduce_sum3A_183 : i32
      %mul3A_185 = arith.constant 128 : i32
      %mul3A_186 = arith.muli %scan3A_71, %mul3A_185 : i32
      %add3A_187 = arith.constant 96 : i32
      %add3A_188 = arith.addi %mul3A_186, %add3A_187 : i32
      %get3A_189 = arith.index_cast %add3A_188 : i32 to index
      %get3A_190 = tpu.vector_load %arg8[%get3A_189] {strides = array<i32>} : memref<6400xi32, #tpu.memory_space<vmem>>, vector<16xi32>,
      %broadcast_in_dim3A_191 = arith.constant true
      %broadcast_in_dim3A_192 = vector.broadcast %broadcast_in_dim3A_191 : i1 to vector<16xi1>
      %masked_cumsum3A_193 = tpu.scan <sum>, %get3A_190 masked %broadcast_in_dim3A_192 : vector<16xi32>, vector<16xi1> -> vector<16xi32>
      %add3A_194 = vector.broadcast %add3A_184 : i32 to vector<16xi32>
      %add3A_195 = arith.addi %masked_cumsum3A_193, %add3A_194 : vector<16xi32>
      %swap3A_196 = arith.index_cast %scan3A_71 : i32 to index
      %swap3A_197 = arith.constant 96 : index
      %swap3A_198 = tpu.vector_load %arg9[%swap3A_196, %swap3A_197] {strides = array<i32>} : memref<50x128xi32, #tpu.memory_space<vmem>>, vector<16xi32>,
      tpu.vector_store %arg9[%swap3A_196, %swap3A_197], %add3A_195 {strides = array<i32>} : memref<50x128xi32, #tpu.memory_space<vmem>>, vector<16xi32>,
      %reduce_sum3A_199 = arith.constant true
      %reduce_sum3A_200 = vector.broadcast %reduce_sum3A_199 : i1 to vector<16xi1>
      %reduce_sum3A_201 = tpu.scan <sum>, %get3A_190 masked %reduce_sum3A_200 : vector<16xi32>, vector<16xi1> -> vector<16xi32>
      %reduce_sum3A_202 = vector.extract %reduce_sum3A_201[15] : i32 from vector<16xi32>
      %add3A_203 = arith.addi %add3A_184, %reduce_sum3A_202 : i32
      %mul3A_204 = arith.constant 128 : i32
      %mul3A_205 = arith.muli %scan3A_71, %mul3A_204 : i32
      %add3A_206 = arith.constant 112 : i32
      %add3A_207 = arith.addi %mul3A_205, %add3A_206 : i32
      %get3A_208 = arith.index_cast %add3A_207 : i32 to index
      %get3A_209 = tpu.vector_load %arg8[%get3A_208] {strides = array<i32>} : memref<6400xi32, #tpu.memory_space<vmem>>, vector<16xi32>,
      %broadcast_in_dim3A_210 = arith.constant true
      %broadcast_in_dim3A_211 = vector.broadcast %broadcast_in_dim3A_210 : i1 to vector<16xi1>
      %masked_cumsum3A_212 = tpu.scan <sum>, %get3A_209 masked %broadcast_in_dim3A_211 : vector<16xi32>, vector<16xi1> -> vector<16xi32>
      %add3A_213 = vector.broadcast %add3A_203 : i32 to vector<16xi32>
      %add3A_214 = arith.addi %masked_cumsum3A_212, %add3A_213 : vector<16xi32>
      %swap3A_215 = arith.index_cast %scan3A_71 : i32 to index
      %swap3A_216 = arith.constant 112 : index
      %swap3A_217 = tpu.vector_load %arg9[%swap3A_215, %swap3A_216] {strides = array<i32>} : memref<50x128xi32, #tpu.memory_space<vmem>>, vector<16xi32>,
      tpu.vector_store %arg9[%swap3A_215, %swap3A_216], %add3A_214 {strides = array<i32>} : memref<50x128xi32, #tpu.memory_space<vmem>>, vector<16xi32>,
      %reduce_sum3A_218 = arith.constant true
      %reduce_sum3A_219 = vector.broadcast %reduce_sum3A_218 : i1 to vector<16xi1>
      %reduce_sum3A_220 = tpu.scan <sum>, %get3A_209 masked %reduce_sum3A_219 : vector<16xi32>, vector<16xi1> -> vector<16xi32>
      %reduce_sum3A_221 = vector.extract %reduce_sum3A_220[15] : i32 from vector<16xi32>
      %add3A_222 = arith.addi %add3A_203, %reduce_sum3A_221 : i32
      scf.yield %add3A_222 : i32
    }
    %scan3A_46 = arith.constant 50 : i32
    %barrier3A = arith.constant 0 : index
    tpu.barrier barrier_id(%barrier3A)
    %iota3A = tpu.iota {dimensions = array<i32: 0>} : vector<16xi32>
    %mul3A_47 = arith.constant 16 : i32
    %mul3A_48 = arith.muli %arg1, %mul3A_47 : i32
    %add3A_49 = arith.constant 4096 : i32
    %add3A_50 = arith.addi %add3A_49, %mul3A_48 : i32
    %add3A_51 = vector.broadcast %add3A_50 : i32 to vector<16xi32>
    %add3A_52 = arith.addi %add3A_51, %iota3A : vector<16xi32>
    %swap3A = arith.constant 0 : index
    %swap3A_53 = tpu.vector_load %arg12[%swap3A] {strides = array<i32>} : memref<16xi32, #tpu.memory_space<vmem>>, vector<16xi32>,
    tpu.vector_store %arg12[%swap3A], %add3A_52 {strides = array<i32>} : memref<16xi32, #tpu.memory_space<vmem>>, vector<16xi32>,
    %scan3A_54 = arith.constant 0 : i32
    %scan3A_55 = arith.constant 0 : i32
    %scan3A_56 = arith.constant 50 : i32
    %scan3A_57 = arith.addi %scan3A_55, %scan3A_56 : i32
    %scan3A_58 = arith.constant 1 : i32
    %scan3A_59 = scf.for %scan3A_71 = %scan3A_55 to %scan3A_57 step %scan3A_58 iter_args(%scan3A_72 = %scan3A_54) -> (i32)  : i32 {
      %mul3A_73 = arith.constant 128 : i32
      %mul3A_74 = arith.muli %scan3A_71, %mul3A_73 : i32
      %multiple_of3A_75 = tpu.assume_multiple %mul3A_74, 128 : i32
      %dma_start3A = tpu.memref_slice %arg6[%multiple_of3A_75] : memref<6400xi32, #tpu.memory_space<vmem>> -> memref<128xi32, #tpu.memory_space<vmem>>
      %dma_start3A_76 = arith.constant 0 : i32
      %dma_start3A_77 = arith.constant 0 : i32
      %dma_start3A_78 = tpu.memref_slice %arg4[%dma_start3A_76, %dma_start3A_77] : memref<1000000x64xf32, #tpu.memory_space<hbm>> -> memref<1000000x64xf32, #tpu.memory_space<hbm>>
      tpu.enqueue_indirect_dma source(%dma_start3A_78 : memref<1000000x64xf32, #tpu.memory_space<hbm>>) target(%arg10 : memref<128x64xf32, #tpu.memory_space<vmem>>) offsets(%dma_start3A : memref<128xi32, #tpu.memory_space<vmem>>) semaphore(%arg14 : memref<!tpu.dma_semaphore, #tpu.memory_space<semaphore_mem>>)
      %dma_wait3A = tpu.memref_slice %arg6[%multiple_of3A_75] : memref<6400xi32, #tpu.memory_space<vmem>> -> memref<128xi32, #tpu.memory_space<vmem>>
      %dma_wait3A_79 = arith.constant 0 : i32
      %dma_wait3A_80 = arith.constant 0 : i32
      %dma_wait3A_81 = tpu.memref_slice %arg4[%dma_wait3A_79, %dma_wait3A_80] : memref<1000000x64xf32, #tpu.memory_space<hbm>> -> memref<1000000x64xf32, #tpu.memory_space<hbm>>
      tpu.wait_indirect_dma semaphore(%arg14 : memref<!tpu.dma_semaphore, #tpu.memory_space<semaphore_mem>>) src(%dma_wait3A_81 : memref<1000000x64xf32, #tpu.memory_space<hbm>>) dst(%arg10 : memref<128x64xf32, #tpu.memory_space<vmem>>)
      %get3A = arith.index_cast %scan3A_71 : i32 to index
      %get3A_82 = arith.constant 0 : index
      %get3A_83 = tpu.vector_load %arg9[%get3A, %get3A_82] {strides = array<i32>} : memref<50x128xi32, #tpu.memory_space<vmem>>, vector<16xi32>,
      %slice3A = vector.extract_strided_slice %get3A_83 {offsets = [0], sizes = [1], strides = [1]} : vector<16xi32> to vector<1xi32>
      %squeeze3A = vector.extract %slice3A[0] : i32 from vector<1xi32>
      %get3A_84 = arith.index_cast %scan3A_71 : i32 to index
      %get3A_85 = arith.constant 112 : index
      %get3A_86 = tpu.vector_load %arg9[%get3A_84, %get3A_85] {strides = array<i32>} : memref<50x128xi32, #tpu.memory_space<vmem>>, vector<16xi32>,
      %slice3A_87 = vector.extract_strided_slice %get3A_86 {offsets = [15], sizes = [1], strides = [1]} : vector<16xi32> to vector<1xi32>
      %squeeze3A_88 = vector.extract %slice3A_87[0] : i32 from vector<1xi32>
      %eq3A = arith.cmpi eq, %squeeze3A, %squeeze3A_88 : i32
      %and3A = arith.constant 15 : i32
      %and3A_89 = arith.andi %scan3A_71, %and3A : i32
      %convert_element_type3A = arith.extui %eq3A : i1 to i32
      %cond3A = arith.constant 0 : i32
      %cond3A_90 = arith.cmpi ne, %convert_element_type3A, %cond3A : i32
      scf.if %cond3A_90 {
        %broadcast_in_dim3A_101 = arith.constant 0.000000e+00 : f32
        %broadcast_in_dim3A_102 = vector.broadcast %broadcast_in_dim3A_101 : f32 to vector<16xf32>
        %broadcast_in_dim3A_103 = arith.constant 0.000000e+00 : f32
        %broadcast_in_dim3A_104 = vector.broadcast %broadcast_in_dim3A_103 : f32 to vector<16xf32>
        %broadcast_in_dim3A_105 = arith.constant 0.000000e+00 : f32
        %broadcast_in_dim3A_106 = vector.broadcast %broadcast_in_dim3A_105 : f32 to vector<16xf32>
        %broadcast_in_dim3A_107 = arith.constant 0.000000e+00 : f32
        %broadcast_in_dim3A_108 = vector.broadcast %broadcast_in_dim3A_107 : f32 to vector<16xf32>
        %scan3A_109 = arith.constant 0 : i32
        %scan3A_110 = arith.constant 128 : i32
        %scan3A_111 = arith.addi %scan3A_109, %scan3A_110 : i32
        %scan3A_112 = arith.constant 1 : i32
        %scan3A_113:4 = scf.for %scan3A_134 = %scan3A_109 to %scan3A_111 step %scan3A_112 iter_args(%scan3A_135 = %broadcast_in_dim3A_102, %scan3A_136 = %broadcast_in_dim3A_104, %scan3A_137 = %broadcast_in_dim3A_106, %scan3A_138 = %broadcast_in_dim3A_108) -> (vector<16xf32>, vector<16xf32>, vector<16xf32>, vector<16xf32>)  : i32 {
          %get3A_139 = arith.index_cast %scan3A_134 : i32 to index
          %get3A_140 = arith.constant 0 : index
          %get3A_141 = tpu.vector_load %arg10[%get3A_139, %get3A_140] {strides = array<i32>} : memref<128x64xf32, #tpu.memory_space<vmem>>, vector<16xf32>,
          %add3A_142 = arith.addf %scan3A_135, %get3A_141 : vector<16xf32>
          %get3A_143 = arith.index_cast %scan3A_134 : i32 to index
          %get3A_144 = arith.constant 16 : index
          %get3A_145 = tpu.vector_load %arg10[%get3A_143, %get3A_144] {strides = array<i32>} : memref<128x64xf32, #tpu.memory_space<vmem>>, vector<16xf32>,
          %add3A_146 = arith.addf %scan3A_136, %get3A_145 : vector<16xf32>
          %get3A_147 = arith.index_cast %scan3A_134 : i32 to index
          %get3A_148 = arith.constant 32 : index
          %get3A_149 = tpu.vector_load %arg10[%get3A_147, %get3A_148] {strides = array<i32>} : memref<128x64xf32, #tpu.memory_space<vmem>>, vector<16xf32>,
          %add3A_150 = arith.addf %scan3A_137, %get3A_149 : vector<16xf32>
          %get3A_151 = arith.index_cast %scan3A_134 : i32 to index
          %get3A_152 = arith.constant 48 : index
          %get3A_153 = tpu.vector_load %arg10[%get3A_151, %get3A_152] {strides = array<i32>} : memref<128x64xf32, #tpu.memory_space<vmem>>, vector<16xf32>,
          %add3A_154 = arith.addf %scan3A_138, %get3A_153 : vector<16xf32>
          scf.yield %add3A_142, %add3A_146, %add3A_150, %add3A_154 : vector<16xf32>, vector<16xf32>, vector<16xf32>, vector<16xf32>
        }
        %scan3A_114 = arith.constant 128 : i32
        %swap3A_115 = arith.index_cast %and3A_89 : i32 to index
        %swap3A_116 = arith.constant 0 : index
        %swap3A_117 = tpu.vector_load %arg11[%swap3A_115, %swap3A_116] {strides = array<i32>} : memref<16x64xf32, #tpu.memory_space<vmem>>, vector<16xf32>,
        tpu.vector_store %arg11[%swap3A_115, %swap3A_116], %scan3A_113#0 {strides = array<i32>} : memref<16x64xf32, #tpu.memory_space<vmem>>, vector<16xf32>,
        %swap3A_118 = arith.index_cast %and3A_89 : i32 to index
        %swap3A_119 = arith.constant 16 : index
        %swap3A_120 = tpu.vector_load %arg11[%swap3A_118, %swap3A_119] {strides = array<i32>} : memref<16x64xf32, #tpu.memory_space<vmem>>, vector<16xf32>,
        tpu.vector_store %arg11[%swap3A_118, %swap3A_119], %scan3A_113#1 {strides = array<i32>} : memref<16x64xf32, #tpu.memory_space<vmem>>, vector<16xf32>,
        %swap3A_121 = arith.index_cast %and3A_89 : i32 to index
        %swap3A_122 = arith.constant 32 : index
        %swap3A_123 = tpu.vector_load %arg11[%swap3A_121, %swap3A_122] {strides = array<i32>} : memref<16x64xf32, #tpu.memory_space<vmem>>, vector<16xf32>,
        tpu.vector_store %arg11[%swap3A_121, %swap3A_122], %scan3A_113#2 {strides = array<i32>} : memref<16x64xf32, #tpu.memory_space<vmem>>, vector<16xf32>,
        %swap3A_124 = arith.index_cast %and3A_89 : i32 to index
        %swap3A_125 = arith.constant 48 : index
        %swap3A_126 = tpu.vector_load %arg11[%swap3A_124, %swap3A_125] {strides = array<i32>} : memref<16x64xf32, #tpu.memory_space<vmem>>, vector<16xf32>,
        tpu.vector_store %arg11[%swap3A_124, %swap3A_125], %scan3A_113#3 {strides = array<i32>} : memref<16x64xf32, #tpu.memory_space<vmem>>, vector<16xf32>,
        %eq3A_127 = vector.broadcast %and3A_89 : i32 to vector<16xi32>
        %eq3A_128 = arith.cmpi eq, %iota3A, %eq3A_127 : vector<16xi32>
        %get3A_129 = arith.constant 0 : index
        %get3A_130 = tpu.vector_load %arg12[%get3A_129] {strides = array<i32>} : memref<16xi32, #tpu.memory_space<vmem>>, vector<16xi32>,
        %broadcast_in_dim3A_131 = vector.broadcast %squeeze3A : i32 to vector<16xi32>
        %select_n3A = arith.select %eq3A_128, %broadcast_in_dim3A_131, %get3A_130 : vector<16xi1>, vector<16xi32>
        %swap3A_132 = arith.constant 0 : index
        %swap3A_133 = tpu.vector_load %arg12[%swap3A_132] {strides = array<i32>} : memref<16xi32, #tpu.memory_space<vmem>>, vector<16xi32>,
        tpu.vector_store %arg12[%swap3A_132], %select_n3A {strides = array<i32>} : memref<16xi32, #tpu.memory_space<vmem>>, vector<16xi32>,
      } else {
      }
      %not3A = arith.constant true
      %not3A_91 = arith.xori %eq3A, %not3A : i1
      %convert_element_type3A_92 = arith.extui %not3A_91 : i1 to i32
      %cond3A_93 = arith.constant 0 : i32
      %cond3A_94 = arith.cmpi ne, %convert_element_type3A_92, %cond3A_93 : i32
      scf.if %cond3A_94 {
        "tpu.region"() ({
          %run_scoped3A = tpu.sem_alloc : memref<!tpu.dma_semaphore, #tpu.memory_space<semaphore_mem>>
          %dma_start3A_101 = arith.constant 0 : i32
          %dma_start3A_102 = tpu.memref_slice %arg9[%scan3A_71, %dma_start3A_101] : memref<50x128xi32, #tpu.memory_space<vmem>> -> memref<1x128xi32, #tpu.memory_space<vmem>>
          %dma_start3A_103 = tpu.memref_squeeze %dma_start3A_102 : memref<1x128xi32, #tpu.memory_space<vmem>> -> memref<128xi32, #tpu.memory_space<vmem>>
          %dma_start3A_104 = arith.constant 0 : i32
          %dma_start3A_105 = arith.constant 0 : i32
          %dma_start3A_106 = tpu.memref_slice %arg13[%dma_start3A_104, %dma_start3A_105] : memref<4352x64xf32, #tpu.memory_space<vmem_shared>> -> memref<4352x64xf32, #tpu.memory_space<vmem_shared>>
          tpu.enqueue_indirect_dma source(%arg10 : memref<128x64xf32, #tpu.memory_space<vmem>>) target(%dma_start3A_106 : memref<4352x64xf32, #tpu.memory_space<vmem_shared>>) offsets(%dma_start3A_103 : memref<128xi32, #tpu.memory_space<vmem>>) semaphore(%run_scoped3A : memref<!tpu.dma_semaphore, #tpu.memory_space<semaphore_mem>>) {add = true}
          %dma_wait3A_107 = arith.constant 0 : i32
          %dma_wait3A_108 = tpu.memref_slice %arg9[%scan3A_71, %dma_wait3A_107] : memref<50x128xi32, #tpu.memory_space<vmem>> -> memref<1x128xi32, #tpu.memory_space<vmem>>
          %dma_wait3A_109 = tpu.memref_squeeze %dma_wait3A_108 : memref<1x128xi32, #tpu.memory_space<vmem>> -> memref<128xi32, #tpu.memory_space<vmem>>
          %dma_wait3A_110 = arith.constant 0 : i32
          %dma_wait3A_111 = arith.constant 0 : i32
          %dma_wait3A_112 = tpu.memref_slice %arg13[%dma_wait3A_110, %dma_wait3A_111] : memref<4352x64xf32, #tpu.memory_space<vmem_shared>> -> memref<4352x64xf32, #tpu.memory_space<vmem_shared>>
          tpu.wait_indirect_dma semaphore(%run_scoped3A : memref<!tpu.dma_semaphore, #tpu.memory_space<semaphore_mem>>) src(%arg10 : memref<128x64xf32, #tpu.memory_space<vmem>>) dst(%dma_wait3A_112 : memref<4352x64xf32, #tpu.memory_space<vmem_shared>>)
          tpu.yield
        }) : () -> ()
      } else {
      }
      %eq3A_95 = arith.constant 15 : i32
      %eq3A_96 = arith.cmpi eq, %and3A_89, %eq3A_95 : i32
      %convert_element_type3A_97 = arith.extui %eq3A_96 : i1 to i32
      %cond3A_98 = arith.constant 0 : i32
      %cond3A_99 = arith.cmpi ne, %convert_element_type3A_97, %cond3A_98 : i32
      scf.if %cond3A_99 {
        "tpu.region"() ({
          %run_scoped3A = tpu.sem_alloc : memref<!tpu.dma_semaphore, #tpu.memory_space<semaphore_mem>>
          %dma_start3A_103 = arith.constant 0 : i32
          %dma_start3A_104 = arith.constant 0 : i32
          %dma_start3A_105 = tpu.memref_slice %arg13[%dma_start3A_103, %dma_start3A_104] : memref<4352x64xf32, #tpu.memory_space<vmem_shared>> -> memref<4352x64xf32, #tpu.memory_space<vmem_shared>>
          tpu.enqueue_indirect_dma source(%arg11 : memref<16x64xf32, #tpu.memory_space<vmem>>) target(%dma_start3A_105 : memref<4352x64xf32, #tpu.memory_space<vmem_shared>>) offsets(%arg12 : memref<16xi32, #tpu.memory_space<vmem>>) semaphore(%run_scoped3A : memref<!tpu.dma_semaphore, #tpu.memory_space<semaphore_mem>>) {add = true}
          %dma_wait3A_106 = arith.constant 0 : i32
          %dma_wait3A_107 = arith.constant 0 : i32
          %dma_wait3A_108 = tpu.memref_slice %arg13[%dma_wait3A_106, %dma_wait3A_107] : memref<4352x64xf32, #tpu.memory_space<vmem_shared>> -> memref<4352x64xf32, #tpu.memory_space<vmem_shared>>
          tpu.wait_indirect_dma semaphore(%run_scoped3A : memref<!tpu.dma_semaphore, #tpu.memory_space<semaphore_mem>>) src(%arg11 : memref<16x64xf32, #tpu.memory_space<vmem>>) dst(%dma_wait3A_108 : memref<4352x64xf32, #tpu.memory_space<vmem_shared>>)
          tpu.yield
        }) : () -> ()
        %swap3A_101 = arith.constant 0 : index
        %swap3A_102 = tpu.vector_load %arg12[%swap3A_101] {strides = array<i32>} : memref<16xi32, #tpu.memory_space<vmem>>, vector<16xi32>,
        tpu.vector_store %arg12[%swap3A_101], %add3A_52 {strides = array<i32>} : memref<16xi32, #tpu.memory_space<vmem>>, vector<16xi32>,
      } else {
      }
      %scan3A_100 = arith.constant 0 : i32
      scf.yield %scan3A_100 : i32
    }
    %scan3A_60 = arith.constant 50 : i32
    "tpu.region"() ({
      %run_scoped3A = tpu.sem_alloc : memref<!tpu.dma_semaphore, #tpu.memory_space<semaphore_mem>>
      %dma_start3A = arith.constant 0 : i32
      %dma_start3A_71 = arith.constant 0 : i32
      %dma_start3A_72 = tpu.memref_slice %arg13[%dma_start3A, %dma_start3A_71] : memref<4352x64xf32, #tpu.memory_space<vmem_shared>> -> memref<4352x64xf32, #tpu.memory_space<vmem_shared>>
      tpu.enqueue_indirect_dma source(%arg11 : memref<16x64xf32, #tpu.memory_space<vmem>>) target(%dma_start3A_72 : memref<4352x64xf32, #tpu.memory_space<vmem_shared>>) offsets(%arg12 : memref<16xi32, #tpu.memory_space<vmem>>) semaphore(%run_scoped3A : memref<!tpu.dma_semaphore, #tpu.memory_space<semaphore_mem>>) {add = true}
      %dma_wait3A = arith.constant 0 : i32
      %dma_wait3A_73 = arith.constant 0 : i32
      %dma_wait3A_74 = tpu.memref_slice %arg13[%dma_wait3A, %dma_wait3A_73] : memref<4352x64xf32, #tpu.memory_space<vmem_shared>> -> memref<4352x64xf32, #tpu.memory_space<vmem_shared>>
      tpu.wait_indirect_dma semaphore(%run_scoped3A : memref<!tpu.dma_semaphore, #tpu.memory_space<semaphore_mem>>) src(%arg11 : memref<16x64xf32, #tpu.memory_space<vmem>>) dst(%dma_wait3A_74 : memref<4352x64xf32, #tpu.memory_space<vmem_shared>>)
      tpu.yield
    }) : () -> ()
    %barrier3A_61 = arith.constant 0 : index
    tpu.barrier barrier_id(%barrier3A_61)
    %mul3A_62 = arith.constant 256 : i32
    %mul3A_63 = arith.muli %arg1, %mul3A_62 : i32
    %add3A_64 = arith.constant 0 : i32
    %add3A_65 = arith.addi %mul3A_63, %add3A_64 : i32
    %multiple_of3A = tpu.assume_multiple %add3A_65, 128 : i32
    "tpu.region"() ({
      %run_scoped3A = tpu.sem_alloc : memref<!tpu.dma_semaphore, #tpu.memory_space<semaphore_mem>>
      %dma_start3A = arith.constant 0 : i32
      %dma_start3A_71 = tpu.memref_slice %arg13[%multiple_of3A, %dma_start3A] : memref<4352x64xf32, #tpu.memory_space<vmem_shared>> -> memref<128x64xf32, #tpu.memory_space<vmem_shared>>
      %dma_start3A_72 = arith.constant 0 : i32
      %dma_start3A_73 = tpu.memref_slice %arg13[%multiple_of3A, %dma_start3A_72] : memref<4352x64xf32, #tpu.memory_space<vmem_shared>> -> memref<128x64xf32, #tpu.memory_space<vmem_shared>>
      tpu.enqueue_dma source(%dma_start3A_73 : memref<128x64xf32, #tpu.memory_space<vmem_shared>>) target(%arg10 : memref<128x64xf32, #tpu.memory_space<vmem>>) target_semaphore(%run_scoped3A : memref<!tpu.dma_semaphore, #tpu.memory_space<semaphore_mem>>)
      %dma_wait3A = arith.constant 0 : i32
      %dma_wait3A_74 = tpu.memref_slice %arg13[%multiple_of3A, %dma_wait3A] : memref<4352x64xf32, #tpu.memory_space<vmem_shared>> -> memref<128x64xf32, #tpu.memory_space<vmem_shared>>
      %dma_wait3A_75 = arith.constant 0 : i32
      %dma_wait3A_76 = tpu.memref_slice %arg13[%multiple_of3A, %dma_wait3A_75] : memref<4352x64xf32, #tpu.memory_space<vmem_shared>> -> memref<128x64xf32, #tpu.memory_space<vmem_shared>>
      tpu.wait_dma2 semaphore(%run_scoped3A : memref<!tpu.dma_semaphore, #tpu.memory_space<semaphore_mem>>) src(%dma_wait3A_76 : memref<128x64xf32, #tpu.memory_space<vmem_shared>>) dst(%arg10 : memref<128x64xf32, #tpu.memory_space<vmem>>)
      tpu.yield
    }) : () -> ()
    "tpu.region"() ({
      %run_scoped3A = tpu.sem_alloc : memref<!tpu.dma_semaphore, #tpu.memory_space<semaphore_mem>>
      %dma_start3A = arith.constant 0 : i32
      %dma_start3A_71 = tpu.memref_slice %arg5[%arg0, %multiple_of3A, %dma_start3A] : memref<2x4096x64xf32, #tpu.memory_space<hbm>> -> memref<1x128x64xf32, #tpu.memory_space<hbm>>
      %dma_start3A_72 = tpu.memref_squeeze %dma_start3A_71 : memref<1x128x64xf32, #tpu.memory_space<hbm>> -> memref<128x64xf32, #tpu.memory_space<hbm>>
      %dma_start3A_73 = arith.constant 0 : i32
      %dma_start3A_74 = tpu.memref_slice %arg5[%arg0, %multiple_of3A, %dma_start3A_73] : memref<2x4096x64xf32, #tpu.memory_space<hbm>> -> memref<1x128x64xf32, #tpu.memory_space<hbm>>
      %dma_start3A_75 = tpu.memref_squeeze %dma_start3A_74 : memref<1x128x64xf32, #tpu.memory_space<hbm>> -> memref<128x64xf32, #tpu.memory_space<hbm>>
      tpu.enqueue_dma source(%arg10 : memref<128x64xf32, #tpu.memory_space<vmem>>) target(%dma_start3A_75 : memref<128x64xf32, #tpu.memory_space<hbm>>) target_semaphore(%run_scoped3A : memref<!tpu.dma_semaphore, #tpu.memory_space<semaphore_mem>>)
      %dma_wait3A = arith.constant 0 : i32
      %dma_wait3A_76 = tpu.memref_slice %arg5[%arg0, %multiple_of3A, %dma_wait3A] : memref<2x4096x64xf32, #tpu.memory_space<hbm>> -> memref<1x128x64xf32, #tpu.memory_space<hbm>>
      %dma_wait3A_77 = tpu.memref_squeeze %dma_wait3A_76 : memref<1x128x64xf32, #tpu.memory_space<hbm>> -> memref<128x64xf32, #tpu.memory_space<hbm>>
      %dma_wait3A_78 = arith.constant 0 : i32
      %dma_wait3A_79 = tpu.memref_slice %arg5[%arg0, %multiple_of3A, %dma_wait3A_78] : memref<2x4096x64xf32, #tpu.memory_space<hbm>> -> memref<1x128x64xf32, #tpu.memory_space<hbm>>
      %dma_wait3A_80 = tpu.memref_squeeze %dma_wait3A_79 : memref<1x128x64xf32, #tpu.memory_space<hbm>> -> memref<128x64xf32, #tpu.memory_space<hbm>>
      tpu.wait_dma2 semaphore(%run_scoped3A : memref<!tpu.dma_semaphore, #tpu.memory_space<semaphore_mem>>) src(%arg10 : memref<128x64xf32, #tpu.memory_space<vmem>>) dst(%dma_wait3A_80 : memref<128x64xf32, #tpu.memory_space<hbm>>)
      tpu.yield
    }) : () -> ()
    %mul3A_66 = arith.constant 256 : i32
    %mul3A_67 = arith.muli %arg1, %mul3A_66 : i32
    %add3A_68 = arith.constant 128 : i32
    %add3A_69 = arith.addi %mul3A_67, %add3A_68 : i32
    %multiple_of3A_70 = tpu.assume_multiple %add3A_69, 128 : i32
    "tpu.region"() ({
      %run_scoped3A = tpu.sem_alloc : memref<!tpu.dma_semaphore, #tpu.memory_space<semaphore_mem>>
      %dma_start3A = arith.constant 0 : i32
      %dma_start3A_71 = tpu.memref_slice %arg13[%multiple_of3A_70, %dma_start3A] : memref<4352x64xf32, #tpu.memory_space<vmem_shared>> -> memref<128x64xf32, #tpu.memory_space<vmem_shared>>
      %dma_start3A_72 = arith.constant 0 : i32
      %dma_start3A_73 = tpu.memref_slice %arg13[%multiple_of3A_70, %dma_start3A_72] : memref<4352x64xf32, #tpu.memory_space<vmem_shared>> -> memref<128x64xf32, #tpu.memory_space<vmem_shared>>
      tpu.enqueue_dma source(%dma_start3A_73 : memref<128x64xf32, #tpu.memory_space<vmem_shared>>) target(%arg10 : memref<128x64xf32, #tpu.memory_space<vmem>>) target_semaphore(%run_scoped3A : memref<!tpu.dma_semaphore, #tpu.memory_space<semaphore_mem>>)
      %dma_wait3A = arith.constant 0 : i32
      %dma_wait3A_74 = tpu.memref_slice %arg13[%multiple_of3A_70, %dma_wait3A] : memref<4352x64xf32, #tpu.memory_space<vmem_shared>> -> memref<128x64xf32, #tpu.memory_space<vmem_shared>>
      %dma_wait3A_75 = arith.constant 0 : i32
      %dma_wait3A_76 = tpu.memref_slice %arg13[%multiple_of3A_70, %dma_wait3A_75] : memref<4352x64xf32, #tpu.memory_space<vmem_shared>> -> memref<128x64xf32, #tpu.memory_space<vmem_shared>>
      tpu.wait_dma2 semaphore(%run_scoped3A : memref<!tpu.dma_semaphore, #tpu.memory_space<semaphore_mem>>) src(%dma_wait3A_76 : memref<128x64xf32, #tpu.memory_space<vmem_shared>>) dst(%arg10 : memref<128x64xf32, #tpu.memory_space<vmem>>)
      tpu.yield
    }) : () -> ()
    "tpu.region"() ({
      %run_scoped3A = tpu.sem_alloc : memref<!tpu.dma_semaphore, #tpu.memory_space<semaphore_mem>>
      %dma_start3A = arith.constant 0 : i32
      %dma_start3A_71 = tpu.memref_slice %arg5[%arg0, %multiple_of3A_70, %dma_start3A] : memref<2x4096x64xf32, #tpu.memory_space<hbm>> -> memref<1x128x64xf32, #tpu.memory_space<hbm>>
      %dma_start3A_72 = tpu.memref_squeeze %dma_start3A_71 : memref<1x128x64xf32, #tpu.memory_space<hbm>> -> memref<128x64xf32, #tpu.memory_space<hbm>>
      %dma_start3A_73 = arith.constant 0 : i32
      %dma_start3A_74 = tpu.memref_slice %arg5[%arg0, %multiple_of3A_70, %dma_start3A_73] : memref<2x4096x64xf32, #tpu.memory_space<hbm>> -> memref<1x128x64xf32, #tpu.memory_space<hbm>>
      %dma_start3A_75 = tpu.memref_squeeze %dma_start3A_74 : memref<1x128x64xf32, #tpu.memory_space<hbm>> -> memref<128x64xf32, #tpu.memory_space<hbm>>
      tpu.enqueue_dma source(%arg10 : memref<128x64xf32, #tpu.memory_space<vmem>>) target(%dma_start3A_75 : memref<128x64xf32, #tpu.memory_space<hbm>>) target_semaphore(%run_scoped3A : memref<!tpu.dma_semaphore, #tpu.memory_space<semaphore_mem>>)
      %dma_wait3A = arith.constant 0 : i32
      %dma_wait3A_76 = tpu.memref_slice %arg5[%arg0, %multiple_of3A_70, %dma_wait3A] : memref<2x4096x64xf32, #tpu.memory_space<hbm>> -> memref<1x128x64xf32, #tpu.memory_space<hbm>>
      %dma_wait3A_77 = tpu.memref_squeeze %dma_wait3A_76 : memref<1x128x64xf32, #tpu.memory_space<hbm>> -> memref<128x64xf32, #tpu.memory_space<hbm>>
      %dma_wait3A_78 = arith.constant 0 : i32
      %dma_wait3A_79 = tpu.memref_slice %arg5[%arg0, %multiple_of3A_70, %dma_wait3A_78] : memref<2x4096x64xf32, #tpu.memory_space<hbm>> -> memref<1x128x64xf32, #tpu.memory_space<hbm>>
      %dma_wait3A_80 = tpu.memref_squeeze %dma_wait3A_79 : memref<1x128x64xf32, #tpu.memory_space<hbm>> -> memref<128x64xf32, #tpu.memory_space<hbm>>
      tpu.wait_dma2 semaphore(%run_scoped3A : memref<!tpu.dma_semaphore, #tpu.memory_space<semaphore_mem>>) src(%arg10 : memref<128x64xf32, #tpu.memory_space<vmem>>) dst(%dma_wait3A_80 : memref<128x64xf32, #tpu.memory_space<hbm>>)
      tpu.yield
    }) : () -> ()
    return
  }
}

module attributes {stable_mosaic.version = 14 : i64} {
  func.func @body(%arg0: memref<2x4096x64xf32, #tpu.memory_space<vmem>>, %arg1: memref<4096x1xi32, #tpu.memory_space<vmem>>, %arg2: memref<4096x1xi32, #tpu.memory_space<vmem>>, %arg3: memref<16x64xf32, #tpu.memory_space<vmem>>, %arg4: memref<1x16xf32, #tpu.memory_space<vmem>>, %arg5: memref<4096x16xf32, #tpu.memory_space<vmem>>) attributes {dimension_semantics = [], scalar_prefetch = 0 : i64, scratch_operands = 0 : i64, tpu.core_type = #tpu.core_type<tc>} {
    %get3A = arith.constant 0 : index
    %get3A_0 = arith.constant 0 : index
    %get3A_1 = arith.constant 0 : index
    %get3A_2 = vector.load %arg0[%get3A, %get3A_0, %get3A_1] : memref<2x4096x64xf32, #tpu.memory_space<vmem>>, vector<1x4096x64xf32>
    %get3A_3 = vector.shape_cast %get3A_2 : vector<1x4096x64xf32> to vector<4096x64xf32>
    %get3A_4 = arith.constant 1 : index
    %get3A_5 = arith.constant 0 : index
    %get3A_6 = arith.constant 0 : index
    %get3A_7 = vector.load %arg0[%get3A_4, %get3A_5, %get3A_6] : memref<2x4096x64xf32, #tpu.memory_space<vmem>>, vector<1x4096x64xf32>
    %get3A_8 = vector.shape_cast %get3A_7 : vector<1x4096x64xf32> to vector<4096x64xf32>
    %add3A = arith.addf %get3A_3, %get3A_8 : vector<4096x64xf32>
    %get3A_9 = arith.constant 0 : index
    %get3A_10 = arith.constant 0 : index
    %get3A_11 = vector.load %arg2[%get3A_9, %get3A_10] : memref<4096x1xi32, #tpu.memory_space<vmem>>, vector<4096x1xi32>
    %get3A_12 = arith.constant 0 : index
    %get3A_13 = arith.constant 0 : index
    %get3A_14 = vector.load %arg1[%get3A_12, %get3A_13] : memref<4096x1xi32, #tpu.memory_space<vmem>>, vector<4096x1xi32>
    %sub3A = arith.subi %get3A_11, %get3A_14 : vector<4096x1xi32>
    %convert_element_type3A = arith.sitofp %sub3A : vector<4096x1xi32> to vector<4096x1xf32>
    %max3A = arith.constant 1.000000e+00 : f32
    %max3A_15 = vector.broadcast %max3A : f32 to vector<4096x1xf32>
    %max3A_16 = arith.maximumf %convert_element_type3A, %max3A_15 : vector<4096x1xf32>
    %div3A = arith.constant 1.000000e+00 : f32
    %div3A_17 = vector.broadcast %div3A : f32 to vector<4096x1xf32>
    %div3A_18 = arith.divf %div3A_17, %max3A_16 : vector<4096x1xf32>
    %mul3A = vector.broadcast %div3A_18 : vector<4096x1xf32> to vector<4096x64xf32>
    %mul3A_19 = arith.mulf %add3A, %mul3A : vector<4096x64xf32>
    %get3A_20 = arith.constant 0 : index
    %get3A_21 = arith.constant 0 : index
    %get3A_22 = vector.load %arg3[%get3A_20, %get3A_21] : memref<16x64xf32, #tpu.memory_space<vmem>>, vector<16x64xf32>
    %dot_general3A = arith.constant dense<0.000000e+00> : vector<4096x16xf32>
    %dot_general3A_23 = tpu.matmul %mul3A_19, %get3A_22, %dot_general3A {dimension_numbers = #tpu.dot_dimension_numbers<[1], [1], [0], [0], [0, 0, 1, 0], [], []>, transpose_lhs_hint = false} : vector<4096x64xf32>, vector<16x64xf32>, vector<4096x16xf32> -> vector<4096x16xf32>
    %get3A_24 = arith.constant 0 : index
    %get3A_25 = arith.constant 0 : index
    %get3A_26 = vector.load %arg4[%get3A_24, %get3A_25] : memref<1x16xf32, #tpu.memory_space<vmem>>, vector<1x16xf32>
    %add3A_27 = vector.broadcast %get3A_26 : vector<1x16xf32> to vector<4096x16xf32>
    %add3A_28 = arith.addf %dot_general3A_23, %add3A_27 : vector<4096x16xf32>
    %swap3A = arith.constant 0 : index
    %swap3A_29 = arith.constant 0 : index
    %swap3A_30 = vector.load %arg5[%swap3A, %swap3A_29] : memref<4096x16xf32, #tpu.memory_space<vmem>>, vector<4096x16xf32>
    tpu.vector_store %arg5[%swap3A, %swap3A_29], %add3A_28 {strides = array<i32>} : memref<4096x16xf32, #tpu.memory_space<vmem>>, vector<4096x16xf32>,
    return
  }
}

</mosaic_0001>

<sc_bundles>
// kernel: kernel.4.cloned.1.call-start
scs
__scs_entry_jumppad:
0x0: {  	(pc) =	sbr.rel $0x88, $3  }
0x1: {  	(tag) =	ssettag $0x0;
	lr =	simm.s32 $0x1  }
0x2: {  	[smem:$0x3F9C] =	sst lr;
	_ =	strace $0xD0000000  }
0x3: {  	_ = 	snop  }
0x4: {  	_ = 	snop  }
0x5: {  	_ = 	snop  }
0x6: {  	_ = 	snop  }
0x7: {  	_ = 	snop  }
__scs_overlays_trampoline_lowered:
0x8: {  	[smem:$0x3FAB] =	sst s0  }
0x9: {  	[smem:$0x3FAC] =	sst s1  }
0xa: {  	[smem:$0x3FAD] =	sst s2  }
0xb: {  	[smem:$0x3FAE] =	sst s3  }
0xc: {  	[smem:$0x3FAF] =	sst s4  }
0xd: {  	[smem:$0x3FB0] =	sst s5  }
0xe: {  	[smem:$0x3FB1] =	sst s6  }
0xf: {  	[smem:$0x3FB2] =	sst s7  }
0x10: {  	[smem:$0x3FB3] =	sst s8  }
0x11: {  	[smem:$0x3FB4] =	sst s9;
	s0 =	simm.s32 @!p0 $0x0  }
0x12: {  	s1 =	sld [smem:$0x3F9A];
	s0 =	simm.s32 @p0 $0x1  }
0x13: {  	[smem:$0x3FB5] =	sst s0;
	s0 =	simm.s32 @!p1 $0x0  }
0x14: {  	s2 =	sld [smem:$0x3F99];
	s0 =	simm.s32 @p1 $0x1  }
0x15: {  	[smem:$0x3FB6] =	sst s0;
	s0 =	simm.s32 @!p2 $0x0  }
0x16: {  	s3 =	sld [smem:$0x3FDB];
	s0 =	simm.s32 @p2 $0x1  }
0x17: {  	s4 =	simm.s32 $0x1BF5;
	[smem:$0x3FB8] =	sst s0  }
0x18: {  	s0 =	sld [smem:$0x3F9B];
	_ =	swait.ge [sflag:s4], $0x0  }
0x19: {  	s7 =	sld [smem:$0x3F9C]  }
0x1a: {  	s8 =	sadd.s32 $0xFFFFE003, lr  }
0x1b: {  	s9 =	sadd.s32 $0xFFFFFEF7, lr;
	s5 =	simm.s32 $0xFFFFFFFF;
	p2 =	slt.u32 s8, $0xFFFFF086  }
0x1c: {  	p1 =	slt.u32 s9, $0xF7A;
	s5 =	simm.s32 @!p2 $0x0  }
0x1d: {  	s5 =	simm.s32 @p1 $0x1;
	p0 =	seq.s32 s7, s2  }
0x1e: {  	s7 =	smul.u32 @!p0 $0xF7A, s2;
	p2 =	seq.s32 @!p0 s5, $0x0  }
0x1f: {  	s9 =	smul.u32 $0xF7A, s1;
	s8 =	simm.s32 @!p0 $0x1BF5;
	p2 =	por !p2, p0  }
0x20: {  	[sflag:s8] =	ssyncset.s32 @!p0 $0xFFFFF086;
	s6 =	sadd.s32 @!p0 s3, s7;
	s7 =	simm.s32 @!p0 $0x108  }
0x21: {  	s3 =	sadd.s32 s3, s9;
	s6 =	sadd.s32 @!p0 $0x88, s6;
	s7 =	simm.s32 @p2 $0x1082  }
0x22: {  	[simem:s7], [sflag:s8] =	dma.local @!p0 [hbm:s6], $0xF7A  }
0x23: {  	s9 =	sor.u32 $0xD0000000, s2;
	s6 =	simm.s32 $0x108;
	_ =	swait.ge @!p0 [sflag:s8], $0x0  }
0x24: {  	s3 =	sadd.s32 $0x88, s3;
	s6 =	simm.s32 @!p1 $0x1082;
	[sflag:s4] =	ssyncset.s32 $0xFFFFF086  }
0x25: {  	[simem:s6], [sflag:s4] =	dma.local [hbm:s3], $0xF7A  }
0x26: {  	[smem:$0x3F9C] =	sst s1;
	(tag) =	ssettag s2;
	_ =	strace s9  }
0x27: {  	s1 =	sld [smem:$0x3FAC]  }
0x28: {  	s2 =	sld [smem:$0x3FAD]  }
0x29: {  	s4 =	sld [smem:$0x3FAF]  }
0x2a: {  	p0 =	seq.s32 s5, $0x0;
	s5 =	sld [smem:$0x3FB0]  }
0x2b: {  	s6 =	sld [smem:$0x3FB1]  }
0x2c: {  	s7 =	sld [smem:$0x3FB2]  }
0x2d: {  	s3 =	simm.s32 $0x108;
	s8 =	sld [smem:$0x3FB3]  }
0x2e: {  	s3 =	simm.s32 @!p0 $0x1082;
	s9 =	sld [smem:$0x3FB4]  }
0x2f: {  	lr =	sadd.s32 s0, s3;
	s0 =	sld [smem:$0x3FAB]  }
0x30: {  	s3 =	sld [smem:$0x3FAE]  }
0x31: {  	[smem:$0x3FB7] =	sst s10  }
0x32: {  	s10 =	sld [smem:$0x3FB5];
	_ =	sdelay $0x3  }
0x33: {  	p0 =	seq.s32 s10, $0x1;
	s10 =	sld [smem:$0x3FB7];
	_ =	sdelay $0x3  }
0x34: {  	[smem:$0x3FB7] =	sst s10  }
0x35: {  	s10 =	sld [smem:$0x3FB6];
	_ =	sdelay $0x3  }
0x36: {  	p1 =	seq.s32 s10, $0x1;
	s10 =	sld [smem:$0x3FB7];
	_ =	sdelay $0x3  }
0x37: {  	[smem:$0x3FB7] =	sst s10  }
0x38: {  	s10 =	sld [smem:$0x3FB8]  }
0x39: {  	_ = 	snop;
	(pc) =	sbr.ind lr, $3  }
0x3a: {  	_ = 	snop  }
0x3b: {  	_ = 	snop  }
0x3c: {  	p2 =	seq.s32 s10, $0x1;
	s10 =	sld [smem:$0x3FB7]  }
0x3d: {  	_ =	shalt  }
0x3e: {  	_ =	shalt  }
0x3f: {  	_ =	shalt  }
0x40: {  	_ =	shalt  }
0x41: {  	_ =	shalt  }
0x42: {  	_ =	shalt  }
0x43: {  	_ =	shalt  }
0x44: {  	_ =	shalt  }
0x45: {  	_ =	shalt  }
0x46: {  	_ =	shalt  }
0x47: {  	_ =	shalt  }
0x48: {  	_ =	shalt  }
0x49: {  	_ =	shalt  }
0x4a: {  	_ =	shalt  }
0x4b: {  	_ =	shalt  }
0x4c: {  	_ =	shalt  }
0x4d: {  	_ =	shalt  }
0x4e: {  	_ =	shalt  }
0x4f: {  	_ =	shalt  }
0x50: {  	_ =	shalt  }
0x51: {  	_ =	shalt  }
0x52: {  	_ =	shalt  }
0x53: {  	_ =	shalt  }
0x54: {  	_ =	shalt  }
0x55: {  	_ =	shalt  }
0x56: {  	_ =	shalt  }
0x57: {  	_ =	shalt  }
0x58: {  	_ =	shalt  }
0x59: {  	_ =	shalt  }
0x5a: {  	_ =	shalt  }
0x5b: {  	_ =	shalt  }
0x5c: {  	_ =	shalt  }
0x5d: {  	_ =	shalt  }
0x5e: {  	_ =	shalt  }
0x5f: {  	_ =	shalt  }
0x60: {  	_ =	shalt  }
0x61: {  	_ =	shalt  }
0x62: {  	_ =	shalt  }
0x63: {  	_ =	shalt  }
0x64: {  	_ =	shalt  }
0x65: {  	_ =	shalt  }
0x66: {  	_ =	shalt  }
0x67: {  	_ =	shalt  }
0x68: {  	_ =	shalt  }
0x69: {  	_ =	shalt  }
0x6a: {  	_ =	shalt  }
0x6b: {  	_ =	shalt  }
0x6c: {  	_ =	shalt  }
0x6d: {  	_ =	shalt  }
0x6e: {  	_ =	shalt  }
0x6f: {  	_ =	shalt  }
0x70: {  	_ =	shalt  }
0x71: {  	_ =	shalt  }
0x72: {  	_ =	shalt  }
0x73: {  	_ =	shalt  }
0x74: {  	_ =	shalt  }
0x75: {  	_ =	shalt  }
0x76: {  	_ =	shalt  }
0x77: {  	_ =	shalt  }
0x78: {  	_ =	shalt  }
0x79: {  	_ =	shalt  }
0x7a: {  	_ =	shalt  }
0x7b: {  	_ =	shalt  }
0x7c: {  	_ =	shalt  }
0x7d: {  	_ =	shalt  }
0x7e: {  	_ =	shalt  }
0x7f: {  	_ =	shalt  }
0x80: {  	_ =	shalt  }
0x81: {  	_ =	shalt  }
0x82: {  	_ =	shalt  }
0x83: {  	_ =	shalt  }
0x84: {  	_ =	shalt  }
0x85: {  	_ =	shalt  }
0x86: {  	_ =	shalt  }
0x87: {  	_ =	shalt  }
.Lfunc_end0:
.L_simem_size_0:
called_computation_lowered:
.L_overlay_start_0:
0x88: {  	s2 =	sld [smem:$0x3FD9]  }
0x89: {  	s3 =	sld [smem:$0x3FFE];
	_ =	sdelay $0x1  }
0x8a: {  	s1 =	srdreg.scid  }
0x8b: {  	s0 =	sand.u32 $0x1, s1  }
0x8c: {  	s17 =	sshll.u32 s0, $0xA;
	s2 =	sadd.s32 s3, s2  }
0x8d: {  	s2 =	sadd.s32 s2, s17  }
0x8e: {  	[smem:$0x3FC3] =	sst s2  }
0x8f: {  	_ = 	snop  }
0x90: {  	s2 =	sld [smem:$0x3FC9]  }
0x91: {  	s18 =	sld [smem:$0x3FC8];
	(tm) =	ssettm $0x1  }
0x92: {  	s4 =	sld [smem:$0x3FFB];
	_ =	sdelay $0x3  }
0x93: {  	_ =	strace s4  }
0x94: {  	s4 =	sld [smem:$0x3FFC];
	_ =	sdelay $0x3  }
0x95: {  	_ =	strace s4  }
0x96: {  	s4 =	sld [smem:$0x3FFD];
	_ =	sdelay $0x3  }
0x97: {  	_ =	strace s4  }
0x98: {  	_ =	strace $0x8FFFFFFF  }
0x99: {  	s19 =	sld [smem:$0x3FDB];
	_ =	sdelay $0x1  }
0x9a: {  	s5 =	simm.s32 $_scs_section_size  }
0x9b: {  	s6 =	simm.s32 $_size__tile_overlayer_lowered;
	s7 =	simm.s32 $_tile_overlayer_lowered  }
0x9c: {  	s22 =	simm.s32 $0x1BFF;
	s21 =	sshll.u32 s7, $0x1;
	s4 =	sadd.s32 s5, s19  }
0x9d: {  	s8 =	simm.s32 $0x0;
	s20 =	sshll.u32 s6, $0x1;
	s6 =	sadd.s32 s21, s4  }
0x9e: {  	[timem:s8], [sflag:s22] =	dma.local [hbm:s6], s20  }
0x9f: {  	_ =	swait.ge [sflag:s22], s20  }
0xa0: {  	s5 =	ssub.s32 $0x0, s20;
	[sflag:s22] =	ssyncset.done $0x0  }
0xa1: {  	[sflag:s22] =	ssyncadd.s32 s5;
	_ =	sdelay $0x1  }
0xa2: {  	s23 =	simm.s32 $0x1B8B  }
0xa3: {  	_ =	swait.ge [sflag:s23], $0x1  }
0xa4: {  	[sflag:s23] =	ssyncset.done $0x0  }
0xa5: {  	s25 =	simm.s32 $0x1B8E;
	s24 =	sld [smem:$0x3FFE];
	[sflag:s23] =	ssyncadd.s32 $0xFFFFFFFF  }
0xa6: {  	s26 =	simm.s32 $execute0_lowered;
	[smem:$0x3FD2] =	sst s25  }
0xa7: {  	s6 =	sshll.u32 s26, $0x1;
	_ =	strace $0x80000046;
	[dreg:$0x1] =	wrdreg $0xFFFFFFFF  }
0xa8: {  	s28 =	simm.s32 $_size_execute0_lowered;
	s4 =	sadd.s32 s4, s6;
	[dreg:$0x0] =	wrdreg $0x0  }
0xa9: {  	s6 =	sshll.u32 s28, $0x1;
	[dreg:$0x2] =	wrdreg s4  }
0xaa: {  	[dreg:$0x3] =	wrdreg s6  }
0xab: {  	[dreg:$0x4] =	wrdreg $0xC0  }
0xac: {  	_ =	task [dreg:s8], $0x5FFFF  }
0xad: {  	[dreg:$0x1] =	wrdreg $0xFFFFFFFF  }
0xae: {  	[dreg:$0x0] =	wrdreg $0x60  }
0xaf: {  	[dreg:$0x2] =	wrdreg s2  }
0xb0: {  	[dreg:$0x3] =	wrdreg s18  }
0xb1: {  	[dreg:$0x4] =	wrdreg s24  }
0xb2: {  	[dreg:$0x5] =	wrdreg $0x7F100  }
0xb3: {  	[dreg:$0x6] =	wrdreg $0x9  }
0xb4: {  	_ =	task.clear_ibuf [dreg:s8], $0x7FFFF;
	_ =	strace $0x90000046  }
0xb5: {  	s29 =	simm.s32 $0x9;
	_ =	strace $0x80000048  }
0xb6: {  	_ =	swait.ge [sflag:s29], $0x1  }
0xb7: {  	[sflag:s29] =	ssyncadd.s32 $0xFFFFFFFF  }
0xb8: {  	_ =	strace $0x90000048  }
0xb9: {  	_ =	sfence  }
0xba: {  	s30 =	sld [smem:$0x0];
	_ =	sdelay $0x2  }
0xbb: {  	s31 =	sshll.u32 s1, $0xD;
	s1 =	sshrl.u32 s1, $0x2  }
0xbc: {  	s3 =	sand.u32 $0x4000, s31;
	s1 =	sadd.s32 s1, s30  }
0xbd: {  	s0 =	sor.u32 s3, s0;
	s1 =	sshll.u32 s1, $0x11  }
0xbe: {  	s0 =	sor.u32 s1, s0  }
0xbf: {  	s0 =	sadd.s32 $0x8F2B, s0  }
0xc0: {  	[sflag:s0] =	ssyncadd.remote.s32 $0x1  }
0xc1: {  	_ =	sfence.sel $0xFFFF  }
0xc2: {  	[dreg:$0x0] =	wrdreg $0xFFFFFFFF;
	(pc) =	sbr.abs _section_cstart, $3  }
0xc3: {  	[dreg:$0x1] =	wrdreg $0xFFFFFFFF  }
0xc4: {  	_ =	task.clear_ibuf [dreg:s8], $0x2FFFF;
	_ =	strace $0x9FFFFFFF  }
0xc5: {  	(tm) =	ssettm $0x7FFFFFFF  }
tec
execute0_lowered:
.L_overlay_start_1:
0x0: {  	(tag) =	ssettag $0x1  }
0x1: {  	s6 =	rddreg [dreg:$0x0]  }
0x2: {  	s1 =	rddreg [dreg:$0x1]  }
0x3: {  	s7 =	rddreg [dreg:$0x2]  }
0x4: {  	s2 =	rddreg [dreg:$0x3];
	s3 =	srdreg.scid  }
0x5: {  	s0 =	rddreg [dreg:$0x4];
	s4 =	simm.s32 $0x0;
	s15 =	simm.s32 $0x2900  }
0x6: {  	s19 =	simm.s32 $0x7F00;
	s20 =	simm.s32 $0x7B00;
	s21 =	simm.s32 $0x0  }
0x7: {  	s8 =	sand.u32 $0x1, s3;
	s3 =	stileid.u32;
	[smem:$0x7FF] =	sst s4  }
0x8: {  	s11 =	sadd.s32 $0xA00, s7;
	s5 =	sshll.u32 s8, $0x4;
	s9 =	ssub.s32 $0x2, s8  }
0x9: {  	_ =	strace $0x80000047;
	s30 =	sshll.u32 s3, $0xE;
	s13 =	sshll.u32 s8, $0x12  }
0xa: {  	s14 =	sshll.u32 s3, $0x4;
	s5 =	sor.u32 s3, s5;
	s10 =	sshrl.u32 s9, $0x1  }
0xb: {  	s31 =	sor.u32 $0x2000, s30;
	s18 =	sor.u32 $0x1000, s14;
	s14 =	simm.s32 $0x5B00  }
0xc: {  	s16 =	smul.u32 $0x1900, s5;
	s5 =	sadd.s32 $0xF42E00, s7;
	s12 =	ssub.s32 s9, s10  }
0xd: {  	s7 =	sadd.s32 s30, s2;
	s8 =	sadd.s32 s31, s2;
	s9 =	sor.u32 s30, s13  }
.Ltmp0:
0xe: {  	v0 =	vlaneseq.u32;
	s10 =	sor.u32 s13, s31;
	s13 =	simm.s32 $0x2;
	(pc) =	sbr.rel .LBB2_1-.Ltmp0, $4  }
0xf: {  	v3 =	vor.u32 s18, v0;
	s18 =	simm.s32 $0x10;
	s9 =	sshrl.u32 s9, $0x3;
	s10 =	sshrl.u32 s10, $0x3  }
0x10: {  	s17 =	sadd.s32 $0x1900, s16;
	s29 =	sshrl.u32 s16, $0x3;
	s9 =	sadd.s32 s11, s9  }
0x11: {  	v4 =	vimm.f32 $0.0e+00;
	v5 =	vimm.s32 $0x1;
	s10 =	sadd.s32 s11, s10;
	s11 =	smax.u32 s12, $0x1;
	s12 =	simm.s32 $0x1900  }
0x12: {  	v6 =	vimm.s32 $0x0;
	v1 =	vmov s16;
	s16 =	simm.s32 $0x80;
	s6 =	sadd.s32 s6, s29;
	v2 =	vmov s17;
	s17 =	simm.s32 $0x1  }
.LBB2_16:
0x13: {  	[spmem:s2] =	stream.indirect.scatter.add.f32 [tilespmem:s20], [sflag:$0x2], $0x40, s19, s18, $0xb8;
	[tilespmem:$0xC310] =	vst v63  }
0x14: {  	_ =	swait.ge [sflag:s13], $0x400  }
0x15: {  	[sflag:s13] =	ssyncset.done $0x0  }
0x16: {  	[sflag:s13] =	ssyncadd.s32 $0xFFFFFC00  }
0x17: {  	[bflag:$0x0] =	sbarrier.arrive $0xFFFF  }
0x18: {  	[tilespmem:s14], [sflag:$0x2] =	stream.linear.gather [spmem:s7], $0x2000, $0x38;
	[tilespmem:$0xC310] =	vst v63  }
0x19: {  	_ =	swait.ge [sflag:s13], $0x2000  }
0x1a: {  	[sflag:s13] =	ssyncset.done $0x0  }
0x1b: {  	[sflag:s13] =	ssyncadd.s32 $0xFFFFE000  }
0x1c: {  	[hbm4b:s9+s4] =	stream.linear.scatter [tilespmem:s14], [sflag:$0x2], $0x2000, $0x38;
	[tilespmem:$0xC310] =	vst v63  }
0x1d: {  	_ =	swait.ge [sflag:s13], $0x2000  }
0x1e: {  	[sflag:s13] =	ssyncset.done $0x0  }
0x1f: {  	[sflag:s13] =	ssyncadd.s32 $0xFFFFE000  }
0x20: {  	[tilespmem:s14], [sflag:$0x2] =	stream.linear.gather [spmem:s8], $0x2000, $0x38;
	[tilespmem:$0xC310] =	vst v63  }
0x21: {  	s21 =	sadd.s32 $0x1, s21;
	_ =	swait.ge [sflag:s13], $0x2000  }
0x22: {  	p0 =	sne.s32 s21, s11;
	[sflag:s13] =	ssyncset.done $0x0  }
.Ltmp1:
0x23: {  	[sflag:s13] =	ssyncadd.s32 $0xFFFFE000;
	(pc) =	sbr.rel @!p0 .LBB2_17-.Ltmp1, $4  }
0x24: {  	[hbm4b:s10+s4] =	stream.linear.scatter [tilespmem:s14], [sflag:$0x2], $0x2000, $0x38;
	[tilespmem:$0xC310] =	vst v63  }
0x25: {  	_ =	swait.ge [sflag:s13], $0x2000  }
0x26: {  	[sflag:s13] =	ssyncset.done $0x0  }
0x27: {  	[sflag:s13] =	ssyncadd.s32 $0xFFFFE000  }
.LBB2_1:
0x28: {  	[tilespmem:s12], [sflag:$0x2] =	stream.linear.gather [hbm4b:s1+s4], $0x1000, $0x38;
	[tilespmem:$0xC310] =	vst v63  }
0x29: {  	_ =	swait.ge [sflag:s13], $0x1000  }
0x2a: {  	[sflag:s13] =	ssyncset.done $0x0  }
0x2b: {  	[sflag:s13] =	ssyncadd.s32 $0xFFFFF000  }
0x2c: {  	[tilespmem:s4], [sflag:$0x2] =	stream.linear.gather [hbm4b:s6+s4], $0x1900, $0x38;
	[tilespmem:$0xC310] =	vst v63  }
0x2d: {  	_ =	swait.ge [sflag:s13], $0x1900  }
0x2e: {  	[sflag:s13] =	ssyncset.done $0x0  }
0x2f: {  	s23 =	simm.s32 $0x100;
	s22 =	simm.s32 $0x0;
	[sflag:s13] =	ssyncadd.s32 $0xFFFFE700  }
.LBB2_2:
0x30: {  	p0 =	sne.s32 s23, $0x7F00;
	[tilespmem:s22+$0x5B30] =	vst v4;
	s24 =	smov.u32 s23;
	s23 =	sadd.s32 $0x100, s23  }
.Ltmp2:
0x31: {  	[tilespmem:s22+$0x5B20] =	vst v4;
	(pc) =	sbr.rel @p0 .LBB2_2-.Ltmp2, $3  }
0x32: {  	[tilespmem:s22+$0x5B00] =	vst v4  }
0x33: {  	[tilespmem:s22+$0x5B10] =	vst v4;
	_ =	sdelay $0x1  }
0x34: {  	s22 =	sshra.s32 s24, $0x2  }
0x35: {  	[tilespmem:s22+$0x5B30] =	vst v4  }
0x36: {  	[tilespmem:s22+$0x5B20] =	vst v4  }
0x37: {  	[tilespmem:s22+$0x5B00] =	vst v4  }
0x38: {  	[tilespmem:s22+$0x5B10] =	vst v4  }
0x39: {  	[spmem:s7] =	stream.linear.scatter [tilespmem:s14], [sflag:$0x2], $0x2000, $0x38;
	[tilespmem:$0xC310] =	vst v63  }
0x3a: {  	_ =	swait.ge [sflag:s13], $0x2000  }
0x3b: {  	[sflag:s13] =	ssyncset.done $0x0  }
0x3c: {  	[sflag:s13] =	ssyncadd.s32 $0xFFFFE000  }
0x3d: {  	[spmem:s8] =	stream.linear.scatter [tilespmem:s14], [sflag:$0x2], $0x2000, $0x38;
	[tilespmem:$0xC310] =	vst v63  }
0x3e: {  	_ =	swait.ge [sflag:s13], $0x2000  }
0x3f: {  	[sflag:s13] =	ssyncset.done $0x0  }
0x40: {  	s22 =	simm.s32 $0x40;
	s23 =	simm.s32 $0x0;
	v7 =	vimm.s32 $0x0;
	[sflag:s13] =	ssyncadd.s32 $0xFFFFE000  }
.LBB2_4:
0x41: {  	p0 =	sne.s32 s22, $0x63C0;
	[tilespmem:s23+$0x2900] =	vst v7;
	s23 =	smov.u32 s22;
	s22 =	sadd.s32 $0x40, s22  }
.Ltmp3:
0x42: {  	(pc) =	sbr.rel @p0 .LBB2_4-.Ltmp3, $2  }
0x43: {  	_ =	sdelay $0x2  }
0x44: {  	s23 =	sshra.s32 s23, $0x2  }
0x45: {  	[tilespmem:s23+$0x2900] =	vst v7;
	s23 =	simm.s32 $0x0;
	s22 =	simm.s32 $0x40  }
.LBB2_6:
0x46: {  	p0 =	sne.s32 s22, $0x3FC0;
	v8 =	vld [tilespmem:s23+$0x1900];
	_ =	sdelay $0x4  }
0x47: {  	vm0 =	vge.s32 v8, v1;
	vm1 =	vlt.s32 v8, v2;
	v9 =	vsub.s32 v8, v1  }
0x48: {  	v10 =	vand.u32 $0x7, v8;
	vm0 =	vmand vm0, vm1;
	v9 =	vand.u32 $0xFFFFFFF8, v9  }
0x49: {  	vm1 =	vlt.s32 v8, v1;
	v9 =	vor.u32 v10, v9  }
.Ltmp4:
0x4a: {  	v8 =	vsel vm1, $0x1, v6;
	(pc) =	sbr.rel @p0 .LBB2_6-.Ltmp4, $2  }
0x4b: {  	v7 =	vadd.s32 v8, v7;
	_ =	sdelay $0x2  }
0x4c: {  	s23 =	sshra.s32 s22, $0x2;
	s22 =	sadd.s32 $0x40, s22;
	[tilespmem:v9+s15+$0x0] =	vst.idx.add.s32.msk vm0, v5  }
0x4d: {  	v8 =	vld [tilespmem:s23+$0x1900];
	_ =	sdelay $0x4  }
0x4e: {  	vm0 =	vge.s32 v8, v1;
	vm1 =	vlt.s32 v8, v2;
	v9 =	vsub.s32 v8, v1  }
0x4f: {  	v10 =	vand.u32 $0x7, v8;
	vm0 =	vmand vm0, vm1;
	v9 =	vand.u32 $0xFFFFFFF8, v9  }
0x50: {  	v9 =	vor.u32 v10, v9;
	_ =	sdelay $0x4  }
0x51: {  	s25 =	simm.s32 $0x0;
	vm15 =	vlt.s32 v8, v1;
	[tilespmem:v9+s15+$0x0] =	vst.idx.add.s32.msk vm0, v5  }
0x52: {  	v9 =	vsel vm15, $0x1, v6;
	v8 =	vld [tilespmem:s25+$0x2900]  }
0x53: {  	v10 =	vld [tilespmem:s25+$0x2910];
	v7 =	vadd.s32 v9, v7  }
0x54: {  	(xrf0) =	vadd.scan.msk.s32 $0xffff, v7  }
0x55: {  	v7 =	vld [tilespmem:s25+$0x2920]  }
0x56: {  	v9 =	vld [tilespmem:s25+$0x2930]  }
0x57: {  	(xrf0) =	vadd.scan.msk.s32 $0xffff, v8;
	v8 =	vld [tilespmem:s25+$0x2940]  }
0x58: {  	(xrf0) =	vadd.scan.msk.s32 $0xffff, v10;
	v10 =	vld [tilespmem:s25+$0x2950]  }
0x59: {  	v11 =	vld [tilespmem:s25+$0x2960]  }
0x5a: {  	s23 =	simm.s32 $0x80;
	v13 =	vld [tilespmem:s25+$0x2970];
	v12, _, _ =	vpop (xrf0);
	(xrf0) =	vadd.scan.msk.s32 $0xffff, v7  }
0x5b: {  	v7 =	vld [tilespmem:s23+$0x2900];
	(v2sf) =	vpush v12, $0xF;
	(xrf0) =	vadd.scan.msk.s32 $0xffff, v9  }
0x5c: {  	(xrf0) =	vadd.scan.msk.s32 $0xffff, v8;
	v8 =	vld [tilespmem:s23+$0x2910]  }
0x5d: {  	v9 =	vld [tilespmem:s23+$0x2920];
	v20, _, _ =	vpop (xrf0);
	(xrf0) =	vadd.scan.msk.s32 $0xffff, v10  }
0x5e: {  	v10 =	vld [tilespmem:s23+$0x2930];
	(v2sf) =	vpush v20, $0xF;
	v15, _, _ =	vpop (xrf0);
	(xrf0) =	vadd.scan.msk.s32 $0xffff, v11  }
0x5f: {  	v11 =	vld [tilespmem:s23+$0x2940];
	(xrf0) =	vadd.scan.msk.s32 $0xffff, v13  }
0x60: {  	v12 =	vld [tilespmem:s23+$0x2950];
	(v2sf) =	vpush v15, $0xF;
	v17, _, _ =	vpop (xrf0);
	(xrf0) =	vadd.scan.msk.s32 $0xffff, v7  }
0x61: {  	(v2sf) =	vpush v17, $0xF;
	v16, _, _ =	vpop (xrf0);
	v7 =	vld [tilespmem:s23+$0x2960];
	(xrf0) =	vadd.scan.msk.s32 $0xffff, v8  }
0x62: {  	(v2sf) =	vpush v16, $0xF;
	v19, _, _ =	vpop (xrf0);
	(xrf0) =	vadd.scan.msk.s32 $0xffff, v9  }
0x63: {  	(v2sf) =	vpush v19, $0xF;
	v18, _, _ =	vpop (xrf0);
	(xrf0) =	vadd.scan.msk.s32 $0xffff, v10  }
0x64: {  	s22 =	simm.s32 $0x100;
	v8 =	vld [tilespmem:s23+$0x2970];
	(v2sf) =	vpush v18, $0xF;
	v21, _, _ =	vpop (xrf0);
	(xrf0) =	vadd.scan.msk.s32 $0xffff, v11  }
0x65: {  	v9 =	vld [tilespmem:s22+$0x2900];
	(v2sf) =	vpush v21, $0xF;
	v14, _, _ =	vpop (xrf0);
	(xrf0) =	vadd.scan.msk.s32 $0xffff, v12  }
0x66: {  	v24 =	vld [tilespmem:s22+$0x2910];
	(v2sf) =	vpush v14, $0xF;
	v10, _, _ =	vpop (xrf0);
	(xrf0) =	vadd.scan.msk.s32 $0xffff, v7  }
0x67: {  	v7 =	vld [tilespmem:s22+$0x2920];
	(v2sf) =	vpush v10, $0xF;
	v13, _, _ =	vpop (xrf0)  }
0x68: {  	(v2sf) =	vpush v13, $0xF;
	v12, _, _ =	vpop (xrf0)  }
0x69: {  	(xrf0) =	vadd.scan.msk.s32 $0xffff, v8;
	(v2sf) =	vpush v12, $0xF;
	v11, _, _ =	vpop (xrf0)  }
0x6a: {  	s24 =	spop (v2sf);
	(xrf0) =	vadd.scan.msk.s32 $0xffff, v9;
	(v2sf) =	vpush v11, $0xF;
	v9, _, _ =	vpop (xrf0)  }
0x6b: {  	(xrf0) =	vadd.scan.msk.s32 $0xffff, v24;
	(v2sf) =	vpush v9, $0xF;
	v8, _, _ =	vpop (xrf0)  }
0x6c: {  	(xrf0) =	vadd.scan.msk.s32 $0xffff, v7;
	(v2sf) =	vpush v8, $0xF;
	v7, _, _ =	vpop (xrf0)  }
0x6d: {  	v26 =	vld [tilespmem:s22+$0x2930];
	s29 =	spop (v2sf);
	(v2sf) =	vpush v7, $0xF  }
0x6e: {  	v23 =	vld [tilespmem:s22+$0x2940];
	s28 =	sadd.s32 $0xFFFFFFFF, s24  }
0x6f: {  	v25 =	vld [tilespmem:s22+$0x2950];
	v20 =	vadd.s32 s28, v20  }
0x70: {  	v22 =	vld [tilespmem:s22+$0x2960]  }
0x71: {  	s26 =	simm.s32 $0x800;
	v24 =	vld [tilespmem:s22+$0x2970]  }
0x72: {  	s24 =	simm.s32 $0x180;
	[tilespmem:s25+$0x4200] =	vst v20;
	(xrf0) =	vadd.scan.msk.s32 $0xffff, v26;
	v20, _, _ =	vpop (xrf0);
	s28 =	sadd.s32 s28, s29;
	s29 =	spop (v2sf)  }
.LBB2_8:
0x73: {  	p0 =	sne.s32 s26, $0x6200;
	(xrf0) =	vadd.scan.msk.s32 $0xffff, v23;
	(v2sf) =	vpush v20, $0xF;
	v23 =	vadd.s32 s28, v15;
	s28 =	sadd.s32 s28, s29;
	s29 =	spop (v2sf);
	v15 =	vmovc v13;
	v26 =	vmov v14  }
0x74: {  	v14 =	vmovc v20;
	v27 =	vld [tilespmem:s24+$0x2900];
	(xrf0) =	vadd.scan.msk.s32 $0xffff, v25;
	[tilespmem:s25+$0x4210] =	vst v23;
	v23 =	vadd.s32 s28, v17;
	s28 =	sadd.s32 s28, s29;
	s29 =	spop (v2sf);
	v17 =	vmov v12  }
0x75: {  	v20 =	vld [tilespmem:s24+$0x2910];
	v28, _, _ =	vpop (xrf0);
	(xrf0) =	vadd.scan.msk.s32 $0xffff, v22;
	[tilespmem:s25+$0x4220] =	vst v23;
	v22 =	vadd.s32 s28, v16;
	s28 =	sadd.s32 s28, s29;
	s29 =	spop (v2sf);
	v16 =	vmov v11  }
0x76: {  	v29 =	vld [tilespmem:s24+$0x2920];
	(v2sf) =	vpush v28, $0xF;
	v13, _, _ =	vpop (xrf0);
	(xrf0) =	vadd.scan.msk.s32 $0xffff, v24;
	[tilespmem:s25+$0x4230] =	vst v22;
	v22 =	vadd.s32 s28, v19;
	s28 =	sadd.s32 s28, s29;
	s29 =	spop (v2sf)  }
0x77: {  	v19 =	vmov v9;
	v30 =	vld [tilespmem:s24+$0x2930];
	(v2sf) =	vpush v13, $0xF;
	v12, _, _ =	vpop (xrf0);
	[tilespmem:s25+$0x4240] =	vst v22;
	v22 =	vadd.s32 s28, v18;
	s28 =	sadd.s32 s28, s29;
	s29 =	spop (v2sf)  }
.Ltmp5:
0x78: {  	v18 =	vmov v8;
	v23 =	vld [tilespmem:s24+$0x2940];
	(v2sf) =	vpush v12, $0xF;
	v11, _, _ =	vpop (xrf0);
	[tilespmem:s25+$0x4250] =	vst v22;
	v21 =	vadd.s32 s28, v21;
	s28 =	sadd.s32 s28, s29;
	s29 =	spop (v2sf);
	(pc) =	sbr.rel @p0 .LBB2_8-.Ltmp5, $4  }
0x79: {  	v25 =	vld [tilespmem:s24+$0x2950];
	(xrf0) =	vadd.scan.msk.s32 $0xffff, v27;
	(v2sf) =	vpush v11, $0xF;
	v9, _, _ =	vpop (xrf0);
	[tilespmem:s25+$0x4260] =	vst v21;
	v21 =	vadd.s32 s28, v26;
	s28 =	sadd.s32 s28, s29  }
0x7a: {  	v22 =	vld [tilespmem:s24+$0x2960];
	(xrf0) =	vadd.scan.msk.s32 $0xffff, v20;
	(v2sf) =	vpush v9, $0xF;
	v8, _, _ =	vpop (xrf0);
	v27 =	vadd.s32 s28, v10;
	[tilespmem:s25+$0x4270] =	vst v21;
	s25 =	smov.u32 s23;
	s23 =	smov.u32 s22;
	s22 =	smov.u32 s24  }
0x7b: {  	s24 =	sshra.s32 s26, $0x2;
	v10 =	vmov v28;
	v24 =	vld [tilespmem:s22+$0x2970];
	(xrf0) =	vadd.scan.msk.s32 $0xffff, v29;
	(v2sf) =	vpush v8, $0xF;
	v26, _, _ =	vpop (xrf0);
	[tilespmem:s25+$0x4200] =	vst v27;
	s29 =	spop (v2sf)  }
0x7c: {  	s26 =	sadd.s32 $0x200, s26;
	(xrf0) =	vadd.scan.msk.s32 $0xffff, v30;
	(v2sf) =	vpush v26, $0xF;
	v20, _, _ =	vpop (xrf0);
	s28 =	sadd.s32 s28, s29;
	s29 =	spop (v2sf);
	v21 =	vmov v7;
	v7 =	vmov v26  }
0x7d: {  	v15 =	vadd.s32 s28, v15;
	s26 =	sadd.s32 s28, s29;
	s31 =	spop (v2sf)  }
0x7e: {  	v26 =	vld [tilespmem:s24+$0x2900];
	[tilespmem:s25+$0x4210] =	vst v15;
	v35 =	vadd.s32 s26, v17;
	s26 =	sadd.s32 s26, s31;
	s29 =	spop (v2sf)  }
0x7f: {  	(xrf0) =	vadd.scan.msk.s32 $0xffff, v23;
	v36 =	vld [tilespmem:s24+$0x2910];
	[tilespmem:s25+$0x4220] =	vst v35;
	v37 =	vadd.s32 s26, v16;
	s26 =	sadd.s32 s26, s29;
	s30 =	spop (v2sf)  }
0x80: {  	(xrf0) =	vadd.scan.msk.s32 $0xffff, v25;
	v38 =	vld [tilespmem:s24+$0x2920];
	[tilespmem:s25+$0x4230] =	vst v37;
	v39 =	vadd.s32 s26, v19;
	s26 =	sadd.s32 s26, s30;
	s31 =	spop (v2sf)  }
0x81: {  	v43, _, _ =	vpop (xrf0);
	(xrf0) =	vadd.scan.msk.s32 $0xffff, v22;
	(v2sf) =	vpush v20, $0xF;
	v40 =	vld [tilespmem:s24+$0x2930];
	[tilespmem:s25+$0x4240] =	vst v39;
	v41 =	vadd.s32 s26, v18;
	s26 =	sadd.s32 s26, s31  }
0x82: {  	v44, _, _ =	vpop (xrf0);
	(xrf0) =	vadd.scan.msk.s32 $0xffff, v24;
	(v2sf) =	vpush v43, $0xF;
	v42 =	vld [tilespmem:s24+$0x2940];
	[tilespmem:s25+$0x4250] =	vst v41;
	v21 =	vadd.s32 s26, v21  }
0x83: {  	v46, _, _ =	vpop (xrf0);
	s29 =	spop (v2sf);
	(v2sf) =	vpush v44, $0xF;
	(xrf0) =	vadd.scan.msk.s32 $0xffff, v26;
	v45 =	vld [tilespmem:s24+$0x2950];
	[tilespmem:s25+$0x4260] =	vst v21  }
0x84: {  	v47, _, _ =	vpop (xrf0);
	s26 =	sadd.s32 s26, s29;
	(v2sf) =	vpush v46, $0xF;
	v48 =	vld [tilespmem:s24+$0x2960];
	(xrf0) =	vadd.scan.msk.s32 $0xffff, v36  }
0x85: {  	v49, _, _ =	vpop (xrf0);
	v14 =	vadd.s32 s26, v14;
	(v2sf) =	vpush v47, $0xF;
	(xrf0) =	vadd.scan.msk.s32 $0xffff, v38  }
0x86: {  	s30 =	spop (v2sf);
	v50, _, _ =	vpop (xrf0);
	[tilespmem:s25+$0x4270] =	vst v14;
	(v2sf) =	vpush v49, $0xF;
	(xrf0) =	vadd.scan.msk.s32 $0xffff, v40  }
0x87: {  	s25 =	sadd.s32 s26, s30;
	v14 =	vld [tilespmem:s24+$0x2970];
	v51, _, _ =	vpop (xrf0);
	s31 =	spop (v2sf);
	(v2sf) =	vpush v50, $0xF;
	(xrf0) =	vadd.scan.msk.s32 $0xffff, v42  }
0x88: {  	v10 =	vadd.s32 s25, v10;
	v52, _, _ =	vpop (xrf0);
	s25 =	sadd.s32 s25, s31;
	s28 =	spop (v2sf);
	(v2sf) =	vpush v51, $0xF;
	(xrf0) =	vadd.scan.msk.s32 $0xffff, v45  }
0x89: {  	v55 =	vadd.s32 s25, v13;
	s25 =	sadd.s32 s25, s28;
	s29 =	spop (v2sf);
	(v2sf) =	vpush v52, $0xF;
	v53, _, _ =	vpop (xrf0);
	(xrf0) =	vadd.scan.msk.s32 $0xffff, v48  }
0x8a: {  	v57 =	vadd.s32 s25, v12;
	s25 =	sadd.s32 s25, s29;
	s30 =	spop (v2sf);
	(v2sf) =	vpush v53, $0xF;
	v54, _, _ =	vpop (xrf0)  }
0x8b: {  	[tilespmem:s23+$0x4200] =	vst v10;
	v59 =	vadd.s32 s25, v11;
	s25 =	sadd.s32 s25, s30;
	s31 =	spop (v2sf);
	(v2sf) =	vpush v54, $0xF;
	v56, _, _ =	vpop (xrf0)  }
0x8c: {  	[tilespmem:s23+$0x4210] =	vst v55;
	(xrf0) =	vadd.scan.msk.s32 $0xffff, v14;
	v9 =	vadd.s32 s25, v9;
	s25 =	sadd.s32 s25, s31;
	s28 =	spop (v2sf);
	(v2sf) =	vpush v56, $0xF;
	v58, _, _ =	vpop (xrf0)  }
0x8d: {  	[tilespmem:s23+$0x4220] =	vst v57;
	v8 =	vadd.s32 s25, v8;
	s25 =	sadd.s32 s25, s28;
	s29 =	spop (v2sf);
	(v2sf) =	vpush v58, $0xF;
	v60, _, _ =	vpop (xrf0)  }
0x8e: {  	[tilespmem:s23+$0x4230] =	vst v59;
	v7 =	vadd.s32 s25, v7;
	s25 =	sadd.s32 s25, s29;
	(v2sf) =	vpush v60, $0xF;
	v61, _, _ =	vpop (xrf0)  }
0x8f: {  	[tilespmem:s23+$0x4260] =	vst v7;
	v7 =	vadd.s32 s25, v20;
	(v2sf) =	vpush v61, $0xF;
	v62, _, _ =	vpop (xrf0)  }
0x90: {  	[tilespmem:s23+$0x4240] =	vst v9;
	s30 =	spop (v2sf);
	(v2sf) =	vpush v62, $0xF  }
0x91: {  	[tilespmem:s23+$0x4250] =	vst v8;
	s31 =	spop (v2sf);
	s25 =	sadd.s32 s25, s30  }
0x92: {  	[tilespmem:s23+$0x4270] =	vst v7;
	v7, _, _ =	vpop (xrf0);
	v8 =	vadd.s32 s25, v43;
	s25 =	sadd.s32 s25, s31;
	s26 =	spop (v2sf)  }
0x93: {  	(v2sf) =	vpush v7, $0xF;
	[tilespmem:s22+$0x4200] =	vst v8;
	v8 =	vadd.s32 s25, v44;
	s23 =	sadd.s32 s25, s26;
	s28 =	spop (v2sf)  }
0x94: {  	[tilespmem:s22+$0x4210] =	vst v8;
	v8 =	vadd.s32 s23, v46;
	s23 =	sadd.s32 s23, s28;
	s29 =	spop (v2sf)  }
0x95: {  	[tilespmem:s22+$0x4220] =	vst v8;
	v8 =	vadd.s32 s23, v47;
	s23 =	sadd.s32 s23, s29;
	s30 =	spop (v2sf)  }
0x96: {  	[tilespmem:s22+$0x4230] =	vst v8;
	v8 =	vadd.s32 s23, v49;
	s23 =	sadd.s32 s23, s30;
	s31 =	spop (v2sf)  }
0x97: {  	[tilespmem:s22+$0x4240] =	vst v8;
	v8 =	vadd.s32 s23, v50;
	s23 =	sadd.s32 s23, s31;
	s26 =	spop (v2sf)  }
0x98: {  	[tilespmem:s22+$0x4250] =	vst v8;
	v8 =	vadd.s32 s23, v51;
	s23 =	sadd.s32 s23, s26;
	s28 =	spop (v2sf)  }
0x99: {  	[tilespmem:s22+$0x4260] =	vst v8;
	v8 =	vadd.s32 s23, v52;
	s23 =	sadd.s32 s23, s28;
	s29 =	spop (v2sf)  }
0x9a: {  	v63 =	vadd.s32 s23, v53;
	[tilespmem:s22+$0x4270] =	vst v8;
	s30 =	sadd.s32 s23, s29;
	s31 =	spop (v2sf)  }
0x9b: {  	[tilespmem:s24+$0x4200] =	vst v63;
	v8 =	vadd.s32 s30, v54;
	s22 =	sadd.s32 s30, s31;
	s25 =	spop (v2sf)  }
0x9c: {  	[tilespmem:s24+$0x4210] =	vst v8;
	v8 =	vadd.s32 s22, v56;
	s22 =	sadd.s32 s22, s25;
	s26 =	spop (v2sf)  }
0x9d: {  	[tilespmem:s24+$0x4220] =	vst v8;
	v8 =	vadd.s32 s22, v58;
	s22 =	sadd.s32 s22, s26;
	s28 =	spop (v2sf)  }
0x9e: {  	[tilespmem:s24+$0x4230] =	vst v8;
	v8 =	vadd.s32 s22, v60;
	s22 =	sadd.s32 s22, s28;
	s29 =	spop (v2sf)  }
0x9f: {  	[tilespmem:s24+$0x4240] =	vst v8;
	v8 =	vadd.s32 s22, v61;
	s22 =	sadd.s32 s22, s29;
	s30 =	spop (v2sf)  }
.Ltmp6:
0xa0: {  	[tilespmem:s24+$0x4250] =	vst v8;
	v8 =	vadd.s32 s22, v62;
	s22 =	sadd.s32 s22, s30;
	(pc) =	sbr.rel .LBB2_10-.Ltmp6, $4  }
0xa1: {  	[tilespmem:s24+$0x4260] =	vst v8;
	v7 =	vadd.s32 s22, v7  }
0xa2: {  	s31 =	spop (v2sf);
	[tilespmem:s24+$0x4270] =	vst v7  }
0xa3: {  	[bflag:$0x0] =	sbarrier.arrive $0xFFFF  }
0xa4: {  	s23 =	simm.s32 $0x0;
	s22 =	simm.s32 $0x0;
	[tilespmem:$0x7F00] =	vst v3  }
.LBB2_14:
0xa5: {  	s25 =	sadd.s32 $0x4200, s25  }
0xa6: {  	[spmem:s2] =	stream.indirect.scatter.add.f32 [tilespmem:s14], [sflag:$0x2], $0x40, s25, s16, $0xb8;
	[tilespmem:$0xC310] =	vst v63  }
0xa7: {  	_ =	swait.ge [sflag:s13], $0x2000  }
0xa8: {  	[sflag:s13] =	ssyncset.done $0x0  }
0xa9: {  	[sflag:s13] =	ssyncadd.s32 $0xFFFFE000  }
.LBB2_15:
0xaa: {  	p0 =	sne.s32 s24, $0xF  }
0xab: {  	s23 =	sadd.s32 $0x1, s23;
	s24 =	simm.s32 @!p0 $0x10  }
0xac: {  	s25 =	simm.s32 @!p0 $0x7F00;
	s26 =	simm.s32 @!p0 $0x7B00;
	p1 =	sne.s32 s23, $0x32  }
0xad: {  	[spmem:s2] =	stream.indirect.scatter.add.f32 @!p0 [tilespmem:s26], [sflag:$0x2], $0x40, s25, s24, $0xb8;
	[tilespmem:$0xC310] =	vst v63  }
.Ltmp7:
0xae: {  	s24 =	simm.s32 @!p0 $0x2;
	(pc) =	sbr.rel @!p1 .LBB2_16-.Ltmp7, $4  }
0xaf: {  	_ =	swait.ge @!p0 [sflag:s24], $0x400  }
0xb0: {  	[sflag:s24] =	ssyncset.done @!p0 $0x0  }
0xb1: {  	[sflag:s24] =	ssyncadd.s32 @!p0 $0xFFFFFC00  }
0xb2: {  	[tilespmem:$0x7F00] =	vst @!p0 v3  }
.LBB2_10:
0xb3: {  	s25 =	sshll.u32 s23, $0x7  }
0xb4: {  	[tilespmem:s14], [sflag:$0x1] =	stream.indirect.gather [hbm4b:s5+s16], $0x40, s25, s16, $0xb8;
	[tilespmem:$0xC310] =	vst v63  }
0xb5: {  	_ =	swait.ge [sflag:s17], $0x2000  }
0xb6: {  	[sflag:s17] =	ssyncset.done $0x0  }
0xb7: {  	[sflag:s17] =	ssyncadd.s32 $0xFFFFE000  }
0xb8: {  	v7 =	vld [tilespmem:s25+$0x4200]  }
0xb9: {  	v8 =	vld [tilespmem:s25+$0x4270];
	_ =	sdelay $0x3  }
0xba: {  	(v2sf) =	vpush v7, $0x0  }
0xbb: {  	(v2sf) =	vpush v8, $0xF;
	_ =	sdelay $0xd  }
0xbc: {  	s24 =	spop (v2sf)  }
0xbd: {  	s26 =	spop (v2sf)  }
0xbe: {  	p0 =	sne.s32 s24, s26  }
.Ltmp8:
0xbf: {  	_ = 	snop;
	(pc) =	sbr.rel @p0 .LBB2_14-.Ltmp8, $2  }
0xc0: {  	_ =	sdelay $0x2  }
0xc1: {  	v8 =	vimm.f32 $0.0e+00;
	s24 =	sand.u32 $0xF, s23  }
0xc2: {  	s26 =	sshra.s32 s22, $0x2  }
0xc3: {  	v9 =	vld [tilespmem:s26+$0x5B30]  }
0xc4: {  	v10 =	vld [tilespmem:s26+$0x5B00]  }
0xc5: {  	v11 =	vld [tilespmem:s26+$0x5B10]  }
0xc6: {  	s25 =	sadd.s32 $0x100, s22;
	v14 =	vimm.f32 $0.0e+00;
	v15 =	vimm.f32 $0.0e+00;
	v13 =	vimm.f32 $0.0e+00;
	v12 =	vld [tilespmem:s26+$0x5B20]  }
.LBB2_12:
0xc7: {  	p0 =	sne.s32 s25, $0x7F00  }
.Ltmp9:
0xc8: {  	s26 =	sshra.s32 s25, $0x2;
	s25 =	sadd.s32 $0x100, s25;
	v8 =	vadd.f32 v9, v8;
	(pc) =	sbr.rel @p0 .LBB2_12-.Ltmp9, $4  }
0xc9: {  	v9 =	vld [tilespmem:s26+$0x5B30];
	v14 =	vadd.f32 v10, v14  }
0xca: {  	v10 =	vld [tilespmem:s26+$0x5B00];
	v15 =	vadd.f32 v11, v15  }
0xcb: {  	v11 =	vld [tilespmem:s26+$0x5B10];
	v13 =	vadd.f32 v12, v13  }
0xcc: {  	v12 =	vld [tilespmem:s26+$0x5B20]  }
0xcd: {  	_ = 	snop  }
0xce: {  	v8 =	vadd.f32 v9, v8  }
0xcf: {  	s25 =	sshll.u32 s24, $0x6;
	v10 =	vadd.f32 v10, v14  }
0xd0: {  	v11 =	vadd.f32 v11, v15;
	[tilespmem:s25+$0x7B30] =	vst v8  }
0xd1: {  	v12 =	vadd.f32 v12, v13;
	[tilespmem:s25+$0x7B00] =	vst v10  }
0xd2: {  	[tilespmem:s25+$0x7B10] =	vst v11  }
0xd3: {  	[tilespmem:s25+$0x7B20] =	vst v12  }
0xd4: {  	v8 =	vld [tilespmem:$0x7F00];
	_ =	sdelay $0x1  }
.Ltmp10:
0xd5: {  	_ = 	snop;
	(pc) =	sbr.rel .LBB2_15-.Ltmp10, $4  }
0xd6: {  	v63 =	vmov s24;
	v7 =	vbroadcast v7, $0x0  }
0xd7: {  	vm0 =	veq.s32 v63, v0  }
0xd8: {  	v7 =	vsel vm0, v7, v8  }
0xd9: {  	[tilespmem:$0x7F00] =	vst v7  }
.LBB2_17:
0xda: {  	_ =	sfence.sel $0x180000  }
0xdb: {  	[bflag:$0x0] =	sbarrier.arrive $0xFFFF  }
0xdc: {  	p0 =	sne.s32 s3, $0x0;
	_ =	strace $0x90000047  }
0xdd: {  	s0 =	sadd.s32 @!p0 $0x100000, s0;
	[bflag:$0x2] =	sbarrier.arrive $0xFFFF  }
0xde: {  	[sflag:s0] =	ssyncadd.tile.s32 @!p0 $0x1;
	_ =	shalt  }
.Lfunc_end2:
_tile_overlayer_lowered:
.L_overlay_start_2:
0xdf: {  	(tag) =	ssettag $0x2  }
0xe0: {  	s0 =	rddreg [dreg:$0x0];
	s2 =	stileid.u32  }
0xe1: {  	s1 =	rddreg [dreg:$0x1];
	p0 =	sne.s32 s2, $0x0  }
0xe2: {  	s3 =	rddreg [dreg:$0x2];
	[bflag:$0x3] =	sbarrier.arrive $0xFFFF;
	s2 =	simm.s32 @!p0 $0x1C02  }
0xe3: {  	[timem:s3], [sflag:s2] =	dma.local @!p0 [hbm:s0], s1  }
0xe4: {  	s0 =	simm.s32 @!p0 $0x2  }
0xe5: {  	_ =	swait.ge @!p0 [sflag:s0], s1  }
0xe6: {  	s1 =	ssub.s32 @!p0 $0x0, s1;
	[sflag:s0] =	ssyncset.done @!p0 $0x0  }
0xe7: {  	[sflag:s0] =	ssyncadd.s32 @!p0 s1  }
0xe8: {  	[bflag:$0x3] =	sbarrier.arrive $0xFFFF  }
0xe9: {  	_ =	shalt  }

</sc_bundles>
